<compile_context>
chip_gen: v7x
topology: tpu7x:2x2x1
jax: 0.10.2.dev20260603
libtpu: 0.0.44.dev20260713+nightly
codegen_flags: <defaults>
</compile_context>

<pallas_src>
import functools

import jax
import jax.numpy as jnp
from jax import lax
from jax.experimental import pallas as pl
from jax.experimental.pallas import tpu as pltpu
from jax.experimental.pallas import tpu_sc as plsc

_N_FRAMES = 1000
_C, _H, _W = 1, 192, 256
_B = 64

_B_SC = 16
_B_TC = _B - _B_SC
_G = 8

_INFO = plsc.get_sparse_core_info()
_NC = _INFO.num_cores
_NS = _INFO.num_subcores
_L = _INFO.num_lanes
_NW = _NC * _NS

_mesh = plsc.VectorSubcoreMesh(core_axis_name="c", subcore_axis_name="s")


@functools.partial(
    pl.kernel,
    mesh=_mesh,
    out_type=jax.ShapeDtypeStruct((_B_SC, _H, _W), jnp.float32),
    scratch_types=[
        pltpu.VMEM((1, 1), jnp.int32),
        pltpu.VMEM((1, _H, _W), jnp.float32),
        pltpu.SemaphoreType.DMA,
    ],
)
def _sc_gather_elu(idx_hbm, table_hbm, out_hbm, idx_v, row_v, sem):
    wid = lax.axis_index("s") * _NC + lax.axis_index("c")

    @pl.when(wid < _B_SC)
    def _():
        pltpu.sync_copy(idx_hbm.at[wid], idx_v)
        pltpu.async_copy(table_hbm.at[idx_v.at[0]], row_v, sem).wait()

        @plsc.parallel_loop(0, _H, unroll=2)
        def _(h):
            for j in range(_W // _L):
                x = row_v[0, h, pl.ds(j * _L, _L)]
                row_v[0, h, pl.ds(j * _L, _L)] = jnp.maximum(x, 0.0) + jnp.exp(
                    jnp.minimum(x, 0.0)
                )

        pltpu.sync_copy(row_v, out_hbm.at[pl.ds(wid, 1)])


def _tc_body(idx_ref, *refs):
    in_refs = refs[:_G]
    out_ref = refs[_G]
    for k in range(_G):
        x = in_refs[k][...]
        out_ref[k, :, :] = jnp.maximum(x[0], 0.0) + jnp.exp(jnp.minimum(x[0], 0.0))


def _mk_spec(k):
    return pl.BlockSpec((1, _H, _W), lambda i, idx, k=k: (idx[i * _G + k], 0, 0))


_tc_gather_elu = pl.pallas_call(
    _tc_body,
    grid_spec=pltpu.PrefetchScalarGridSpec(
        num_scalar_prefetch=1,
        grid=(_B_TC // _G,),
        in_specs=[_mk_spec(k) for k in range(_G)],
        out_specs=pl.BlockSpec((_G, _H, _W), lambda i, idx: (i, 0, 0)),
    ),
    out_shape=jax.ShapeDtypeStruct((_B_TC, _H, _W), jnp.float32),
)


def kernel(indices, maps):
    idx = indices.astype(jnp.int32)
    table = maps.reshape(_N_FRAMES, _H, _W)
    idx_sc = idx[_B_TC:].reshape(_B_SC, 1, 1)
    out_sc = _sc_gather_elu(idx_sc, table)
    out_tc = _tc_gather_elu(idx[:_B_TC], *([table] * _G))
    out = jnp.concatenate([out_tc, out_sc], axis=0)
    return out.reshape(_B, _C, _H, _W)

# --- scband reference (transcript-rebuilt; emitter-appended) ---
"""Pipeline reference for scband-raw-uncertainty-opt-77412490543766 (READ-ONLY COPY).

The authoritative reference and input builder live on the scoring server;
editing this copy changes nothing except your own understanding.
"""

import jax, jax.numpy as jnp
import numpy as np

N_FRAMES = 1000
C = 1
H, W = 192, 256
BATCH = 64

def setup_inputs(seed: int = 0) -> dict:
    key = jax.random.key(seed)
    k_idx = jax.random.fold_in(key, 0)
    indices = jax.random.randint(k_idx, (BATCH,), 0, N_FRAMES, dtype=jnp.int64 if jax.config.read('jax_enable_x64') else jnp.int32)
    # learned parameter: per-frame uncertainty maps, initialized to 0.5 like the torch module
    maps = 0.5 * jnp.ones((N_FRAMES, C, H, W), dtype=jnp.float32)
    return {"indices": indices, "maps": maps}

def reference(indices, maps):
    # torch: uncertainty = ELU(maps[indices], inplace) + 1  (output_channel == 1 branch)
    gathered = jnp.take(maps, indices, axis=0)  # [B, C, H, W] gather
    uncertainty = jax.nn.elu(gathered) + 1.0
    return uncertainty

if __name__ == "__main__":
    import jax
    _d = setup_inputs()
    print(jax.jit(kernel)(*tuple(_d.values())))

</pallas_src>

<mosaic_0001>
#map = affine_map<(d0, d1) -> (0, 0, 0)>
module attributes {stable_mosaic.version = 14 : i64} {
  func.func @_sc_gather_elu(%arg0: i32, %arg1: i32, %arg2: memref<16x1x1xi32, #tpu.memory_space<hbm>>, %arg3: memref<1000x192x256xf32, #tpu.memory_space<hbm>>, %arg4: memref<16x192x256xf32, #tpu.memory_space<hbm>>, %arg5: memref<1x1xi32, #tpu.memory_space<vmem>>, %arg6: memref<1x192x256xf32, #tpu.memory_space<vmem>>, %arg7: memref<!tpu.dma_semaphore, #tpu.memory_space<semaphore_mem>>) attributes {dimension_semantics = [#tpu.dimension_semantics<core_parallel>, #tpu.dimension_semantics<subcore_parallel>], iteration_bounds = array<i64: 2, 16>, scalar_prefetch = 0 : i64, scratch_operands = 3 : i64, tpu.core_type = #tpu.core_type<sc_vector_subcore>, window_params = [{transform_indices = #map}, {transform_indices = #map}, {transform_indices = #map}]} {
    %mul3A = arith.constant 2 : i32
    %mul3A_0 = arith.muli %arg1, %mul3A : i32
    %add3A = arith.addi %mul3A_0, %arg0 : i32
    %lt3A = arith.constant 16 : i32
    %lt3A_1 = arith.cmpi slt, %add3A, %lt3A : i32
    %convert_element_type3A = arith.extui %lt3A_1 : i1 to i32
    %cond3A = arith.constant 0 : i32
    %cond3A_2 = arith.cmpi ne, %convert_element_type3A, %cond3A : i32
    scf.if %cond3A_2 {
      "tpu.region"() ({
        %run_scoped3A = tpu.sem_alloc : memref<!tpu.dma_semaphore, #tpu.memory_space<semaphore_mem>>
        %dma_start3A_19 = arith.constant 0 : i32
        %dma_start3A_20 = arith.constant 0 : i32
        %dma_start3A_21 = tpu.memref_slice %arg2[%add3A, %dma_start3A_19, %dma_start3A_20] : memref<16x1x1xi32, #tpu.memory_space<hbm>> -> memref<1x1x1xi32, #tpu.memory_space<hbm>>
        %dma_start3A_22 = tpu.memref_squeeze %dma_start3A_21 : memref<1x1x1xi32, #tpu.memory_space<hbm>> -> memref<1x1xi32, #tpu.memory_space<hbm>>
        %dma_start3A_23 = arith.constant 0 : i32
        %dma_start3A_24 = arith.constant 0 : i32
        %dma_start3A_25 = tpu.memref_slice %arg2[%add3A, %dma_start3A_23, %dma_start3A_24] : memref<16x1x1xi32, #tpu.memory_space<hbm>> -> memref<1x1x1xi32, #tpu.memory_space<hbm>>
        %dma_start3A_26 = tpu.memref_squeeze %dma_start3A_25 : memref<1x1x1xi32, #tpu.memory_space<hbm>> -> memref<1x1xi32, #tpu.memory_space<hbm>>
        tpu.enqueue_dma source(%dma_start3A_26 : memref<1x1xi32, #tpu.memory_space<hbm>>) target(%arg5 : memref<1x1xi32, #tpu.memory_space<vmem>>) target_semaphore(%run_scoped3A : memref<!tpu.dma_semaphore, #tpu.memory_space<semaphore_mem>>)
        %dma_wait3A_27 = arith.constant 0 : i32
        %dma_wait3A_28 = arith.constant 0 : i32
        %dma_wait3A_29 = tpu.memref_slice %arg2[%add3A, %dma_wait3A_27, %dma_wait3A_28] : memref<16x1x1xi32, #tpu.memory_space<hbm>> -> memref<1x1x1xi32, #tpu.memory_space<hbm>>
        %dma_wait3A_30 = tpu.memref_squeeze %dma_wait3A_29 : memref<1x1x1xi32, #tpu.memory_space<hbm>> -> memref<1x1xi32, #tpu.memory_space<hbm>>
        %dma_wait3A_31 = arith.constant 0 : i32
        %dma_wait3A_32 = arith.constant 0 : i32
        %dma_wait3A_33 = tpu.memref_slice %arg2[%add3A, %dma_wait3A_31, %dma_wait3A_32] : memref<16x1x1xi32, #tpu.memory_space<hbm>> -> memref<1x1x1xi32, #tpu.memory_space<hbm>>
        %dma_wait3A_34 = tpu.memref_squeeze %dma_wait3A_33 : memref<1x1x1xi32, #tpu.memory_space<hbm>> -> memref<1x1xi32, #tpu.memory_space<hbm>>
        tpu.wait_dma2 semaphore(%run_scoped3A : memref<!tpu.dma_semaphore, #tpu.memory_space<semaphore_mem>>) src(%dma_wait3A_34 : memref<1x1xi32, #tpu.memory_space<hbm>>) dst(%arg5 : memref<1x1xi32, #tpu.memory_space<vmem>>)
        tpu.yield
      }) : () -> ()
      %dma_start3A = arith.constant 0 : i32
      %dma_start3A_3 = arith.constant 0 : i32
      %dma_start3A_4 = tpu.memref_slice %arg5[%dma_start3A, %dma_start3A_3] : memref<1x1xi32, #tpu.memory_space<vmem>> -> memref<1x1xi32, #tpu.memory_space<vmem>>
      %dma_start3A_5 = tpu.memref_squeeze %dma_start3A_4 : memref<1x1xi32, #tpu.memory_space<vmem>> -> memref<1xi32, #tpu.memory_space<vmem>>
      %dma_start3A_6 = arith.constant 0 : i32
      %dma_start3A_7 = arith.constant 0 : i32
      %dma_start3A_8 = arith.constant 0 : i32
      %dma_start3A_9 = tpu.memref_slice %arg3[%dma_start3A_6, %dma_start3A_7, %dma_start3A_8] : memref<1000x192x256xf32, #tpu.memory_space<hbm>> -> memref<1000x192x256xf32, #tpu.memory_space<hbm>>
      tpu.enqueue_indirect_dma source(%dma_start3A_9 : memref<1000x192x256xf32, #tpu.memory_space<hbm>>) target(%arg6 : memref<1x192x256xf32, #tpu.memory_space<vmem>>) offsets(%dma_start3A_5 : memref<1xi32, #tpu.memory_space<vmem>>) semaphore(%arg7 : memref<!tpu.dma_semaphore, #tpu.memory_space<semaphore_mem>>)
      %dma_wait3A = arith.constant 0 : i32
      %dma_wait3A_10 = arith.constant 0 : i32
      %dma_wait3A_11 = tpu.memref_slice %arg5[%dma_wait3A, %dma_wait3A_10] : memref<1x1xi32, #tpu.memory_space<vmem>> -> memref<1x1xi32, #tpu.memory_space<vmem>>
      %dma_wait3A_12 = tpu.memref_squeeze %dma_wait3A_11 : memref<1x1xi32, #tpu.memory_space<vmem>> -> memref<1xi32, #tpu.memory_space<vmem>>
      %dma_wait3A_13 = arith.constant 0 : i32
      %dma_wait3A_14 = arith.constant 0 : i32
      %dma_wait3A_15 = arith.constant 0 : i32
      %dma_wait3A_16 = tpu.memref_slice %arg3[%dma_wait3A_13, %dma_wait3A_14, %dma_wait3A_15] : memref<1000x192x256xf32, #tpu.memory_space<hbm>> -> memref<1000x192x256xf32, #tpu.memory_space<hbm>>
      tpu.wait_indirect_dma semaphore(%arg7 : memref<!tpu.dma_semaphore, #tpu.memory_space<semaphore_mem>>) src(%dma_wait3A_16 : memref<1000x192x256xf32, #tpu.memory_space<hbm>>) dst(%arg6 : memref<1x192x256xf32, #tpu.memory_space<vmem>>)
      %parallel_loop3A = arith.constant 0 : i32
      %parallel_loop3A_17 = arith.constant 192 : i32
      %parallel_loop3A_18 = arith.constant 1 : i32
      scf.for %parallel_loop3A_19 = %parallel_loop3A to %parallel_loop3A_17 step %parallel_loop3A_18  : i32 {
        %parallel_loop3A_20 = arith.constant 0 : i32
        %parallel_loop3A_21 = arith.index_cast %parallel_loop3A_20 : i32 to index
        %parallel_loop3A_22 = arith.index_cast %parallel_loop3A_19 : i32 to index
        %parallel_loop3A_23 = arith.constant 0 : index
        %parallel_loop3A_24 = tpu.vector_load %arg6[%parallel_loop3A_21, %parallel_loop3A_22, %parallel_loop3A_23] {strides = array<i32>} : memref<1x192x256xf32, #tpu.memory_space<vmem>>, vector<1x1x16xf32>,
        %parallel_loop3A_25 = vector.shape_cast %parallel_loop3A_24 : vector<1x1x16xf32> to vector<16xf32>
        %parallel_loop3A_26 = arith.constant 0.000000e+00 : f32
        %parallel_loop3A_27 = vector.broadcast %parallel_loop3A_26 : f32 to vector<16xf32>
        %parallel_loop3A_28 = arith.maximumf %parallel_loop3A_25, %parallel_loop3A_27 : vector<16xf32>
        %parallel_loop3A_29 = arith.constant 0.000000e+00 : f32
        %parallel_loop3A_30 = vector.broadcast %parallel_loop3A_29 : f32 to vector<16xf32>
        %parallel_loop3A_31 = arith.minimumf %parallel_loop3A_25, %parallel_loop3A_30 : vector<16xf32>
        %parallel_loop3A_32 = math.exp %parallel_loop3A_31 : vector<16xf32>
        %parallel_loop3A_33 = arith.addf %parallel_loop3A_28, %parallel_loop3A_32 : vector<16xf32>
        %parallel_loop3A_34 = arith.constant 0 : i32
        %parallel_loop3A_35 = arith.index_cast %parallel_loop3A_34 : i32 to index
        %parallel_loop3A_36 = arith.index_cast %parallel_loop3A_19 : i32 to index
        %parallel_loop3A_37 = arith.constant 0 : index
        %parallel_loop3A_38 = tpu.vector_load %arg6[%parallel_loop3A_35, %parallel_loop3A_36, %parallel_loop3A_37] {strides = array<i32>} : memref<1x192x256xf32, #tpu.memory_space<vmem>>, vector<1x1x16xf32>,
        %parallel_loop3A_39 = vector.shape_cast %parallel_loop3A_38 : vector<1x1x16xf32> to vector<16xf32>
        %parallel_loop3A_40 = vector.shape_cast %parallel_loop3A_33 : vector<16xf32> to vector<1x1x16xf32>
        tpu.vector_store %arg6[%parallel_loop3A_35, %parallel_loop3A_36, %parallel_loop3A_37], %parallel_loop3A_40 {strides = array<i32>} : memref<1x192x256xf32, #tpu.memory_space<vmem>>, vector<1x1x16xf32>,
        %parallel_loop3A_41 = arith.constant 0 : i32
        %parallel_loop3A_42 = arith.index_cast %parallel_loop3A_41 : i32 to index
        %parallel_loop3A_43 = arith.index_cast %parallel_loop3A_19 : i32 to index
        %parallel_loop3A_44 = arith.constant 16 : index
        %parallel_loop3A_45 = tpu.vector_load %arg6[%parallel_loop3A_42, %parallel_loop3A_43, %parallel_loop3A_44] {strides = array<i32>} : memref<1x192x256xf32, #tpu.memory_space<vmem>>, vector<1x1x16xf32>,
        %parallel_loop3A_46 = vector.shape_cast %parallel_loop3A_45 : vector<1x1x16xf32> to vector<16xf32>
        %parallel_loop3A_47 = arith.constant 0.000000e+00 : f32
        %parallel_loop3A_48 = vector.broadcast %parallel_loop3A_47 : f32 to vector<16xf32>
        %parallel_loop3A_49 = arith.maximumf %parallel_loop3A_46, %parallel_loop3A_48 : vector<16xf32>
        %parallel_loop3A_50 = arith.constant 0.000000e+00 : f32
        %parallel_loop3A_51 = vector.broadcast %parallel_loop3A_50 : f32 to vector<16xf32>
        %parallel_loop3A_52 = arith.minimumf %parallel_loop3A_46, %parallel_loop3A_51 : vector<16xf32>
        %parallel_loop3A_53 = math.exp %parallel_loop3A_52 : vector<16xf32>
        %parallel_loop3A_54 = arith.addf %parallel_loop3A_49, %parallel_loop3A_53 : vector<16xf32>
        %parallel_loop3A_55 = arith.constant 0 : i32
        %parallel_loop3A_56 = arith.index_cast %parallel_loop3A_55 : i32 to index
        %parallel_loop3A_57 = arith.index_cast %parallel_loop3A_19 : i32 to index
        %parallel_loop3A_58 = arith.constant 16 : index
        %parallel_loop3A_59 = tpu.vector_load %arg6[%parallel_loop3A_56, %parallel_loop3A_57, %parallel_loop3A_58] {strides = array<i32>} : memref<1x192x256xf32, #tpu.memory_space<vmem>>, vector<1x1x16xf32>,
        %parallel_loop3A_60 = vector.shape_cast %parallel_loop3A_59 : vector<1x1x16xf32> to vector<16xf32>
        %parallel_loop3A_61 = vector.shape_cast %parallel_loop3A_54 : vector<16xf32> to vector<1x1x16xf32>
        tpu.vector_store %arg6[%parallel_loop3A_56, %parallel_loop3A_57, %parallel_loop3A_58], %parallel_loop3A_61 {strides = array<i32>} : memref<1x192x256xf32, #tpu.memory_space<vmem>>, vector<1x1x16xf32>,
        %parallel_loop3A_62 = arith.constant 0 : i32
        %parallel_loop3A_63 = arith.index_cast %parallel_loop3A_62 : i32 to index
        %parallel_loop3A_64 = arith.index_cast %parallel_loop3A_19 : i32 to index
        %parallel_loop3A_65 = arith.constant 32 : index
        %parallel_loop3A_66 = tpu.vector_load %arg6[%parallel_loop3A_63, %parallel_loop3A_64, %parallel_loop3A_65] {strides = array<i32>} : memref<1x192x256xf32, #tpu.memory_space<vmem>>, vector<1x1x16xf32>,
        %parallel_loop3A_67 = vector.shape_cast %parallel_loop3A_66 : vector<1x1x16xf32> to vector<16xf32>
        %parallel_loop3A_68 = arith.constant 0.000000e+00 : f32
        %parallel_loop3A_69 = vector.broadcast %parallel_loop3A_68 : f32 to vector<16xf32>
        %parallel_loop3A_70 = arith.maximumf %parallel_loop3A_67, %parallel_loop3A_69 : vector<16xf32>
        %parallel_loop3A_71 = arith.constant 0.000000e+00 : f32
        %parallel_loop3A_72 = vector.broadcast %parallel_loop3A_71 : f32 to vector<16xf32>
        %parallel_loop3A_73 = arith.minimumf %parallel_loop3A_67, %parallel_loop3A_72 : vector<16xf32>
        %parallel_loop3A_74 = math.exp %parallel_loop3A_73 : vector<16xf32>
        %parallel_loop3A_75 = arith.addf %parallel_loop3A_70, %parallel_loop3A_74 : vector<16xf32>
        %parallel_loop3A_76 = arith.constant 0 : i32
        %parallel_loop3A_77 = arith.index_cast %parallel_loop3A_76 : i32 to index
        %parallel_loop3A_78 = arith.index_cast %parallel_loop3A_19 : i32 to index
        %parallel_loop3A_79 = arith.constant 32 : index
        %parallel_loop3A_80 = tpu.vector_load %arg6[%parallel_loop3A_77, %parallel_loop3A_78, %parallel_loop3A_79] {strides = array<i32>} : memref<1x192x256xf32, #tpu.memory_space<vmem>>, vector<1x1x16xf32>,
        %parallel_loop3A_81 = vector.shape_cast %parallel_loop3A_80 : vector<1x1x16xf32> to vector<16xf32>
        %parallel_loop3A_82 = vector.shape_cast %parallel_loop3A_75 : vector<16xf32> to vector<1x1x16xf32>
        tpu.vector_store %arg6[%parallel_loop3A_77, %parallel_loop3A_78, %parallel_loop3A_79], %parallel_loop3A_82 {strides = array<i32>} : memref<1x192x256xf32, #tpu.memory_space<vmem>>, vector<1x1x16xf32>,
        %parallel_loop3A_83 = arith.constant 0 : i32
        %parallel_loop3A_84 = arith.index_cast %parallel_loop3A_83 : i32 to index
        %parallel_loop3A_85 = arith.index_cast %parallel_loop3A_19 : i32 to index
        %parallel_loop3A_86 = arith.constant 48 : index
        %parallel_loop3A_87 = tpu.vector_load %arg6[%parallel_loop3A_84, %parallel_loop3A_85, %parallel_loop3A_86] {strides = array<i32>} : memref<1x192x256xf32, #tpu.memory_space<vmem>>, vector<1x1x16xf32>,
        %parallel_loop3A_88 = vector.shape_cast %parallel_loop3A_87 : vector<1x1x16xf32> to vector<16xf32>
        %parallel_loop3A_89 = arith.constant 0.000000e+00 : f32
        %parallel_loop3A_90 = vector.broadcast %parallel_loop3A_89 : f32 to vector<16xf32>
        %parallel_loop3A_91 = arith.maximumf %parallel_loop3A_88, %parallel_loop3A_90 : vector<16xf32>
        %parallel_loop3A_92 = arith.constant 0.000000e+00 : f32
        %parallel_loop3A_93 = vector.broadcast %parallel_loop3A_92 : f32 to vector<16xf32>
        %parallel_loop3A_94 = arith.minimumf %parallel_loop3A_88, %parallel_loop3A_93 : vector<16xf32>
        %parallel_loop3A_95 = math.exp %parallel_loop3A_94 : vector<16xf32>
        %parallel_loop3A_96 = arith.addf %parallel_loop3A_91, %parallel_loop3A_95 : vector<16xf32>
        %parallel_loop3A_97 = arith.constant 0 : i32
        %parallel_loop3A_98 = arith.index_cast %parallel_loop3A_97 : i32 to index
        %parallel_loop3A_99 = arith.index_cast %parallel_loop3A_19 : i32 to index
        %parallel_loop3A_100 = arith.constant 48 : index
        %parallel_loop3A_101 = tpu.vector_load %arg6[%parallel_loop3A_98, %parallel_loop3A_99, %parallel_loop3A_100] {strides = array<i32>} : memref<1x192x256xf32, #tpu.memory_space<vmem>>, vector<1x1x16xf32>,
        %parallel_loop3A_102 = vector.shape_cast %parallel_loop3A_101 : vector<1x1x16xf32> to vector<16xf32>
        %parallel_loop3A_103 = vector.shape_cast %parallel_loop3A_96 : vector<16xf32> to vector<1x1x16xf32>
        tpu.vector_store %arg6[%parallel_loop3A_98, %parallel_loop3A_99, %parallel_loop3A_100], %parallel_loop3A_103 {strides = array<i32>} : memref<1x192x256xf32, #tpu.memory_space<vmem>>, vector<1x1x16xf32>,
        %parallel_loop3A_104 = arith.constant 0 : i32
        %parallel_loop3A_105 = arith.index_cast %parallel_loop3A_104 : i32 to index
        %parallel_loop3A_106 = arith.index_cast %parallel_loop3A_19 : i32 to index
        %parallel_loop3A_107 = arith.constant 64 : index
        %parallel_loop3A_108 = tpu.vector_load %arg6[%parallel_loop3A_105, %parallel_loop3A_106, %parallel_loop3A_107] {strides = array<i32>} : memref<1x192x256xf32, #tpu.memory_space<vmem>>, vector<1x1x16xf32>,
        %parallel_loop3A_109 = vector.shape_cast %parallel_loop3A_108 : vector<1x1x16xf32> to vector<16xf32>
        %parallel_loop3A_110 = arith.constant 0.000000e+00 : f32
        %parallel_loop3A_111 = vector.broadcast %parallel_loop3A_110 : f32 to vector<16xf32>
        %parallel_loop3A_112 = arith.maximumf %parallel_loop3A_109, %parallel_loop3A_111 : vector<16xf32>
        %parallel_loop3A_113 = arith.constant 0.000000e+00 : f32
        %parallel_loop3A_114 = vector.broadcast %parallel_loop3A_113 : f32 to vector<16xf32>
        %parallel_loop3A_115 = arith.minimumf %parallel_loop3A_109, %parallel_loop3A_114 : vector<16xf32>
        %parallel_loop3A_116 = math.exp %parallel_loop3A_115 : vector<16xf32>
        %parallel_loop3A_117 = arith.addf %parallel_loop3A_112, %parallel_loop3A_116 : vector<16xf32>
        %parallel_loop3A_118 = arith.constant 0 : i32
        %parallel_loop3A_119 = arith.index_cast %parallel_loop3A_118 : i32 to index
        %parallel_loop3A_120 = arith.index_cast %parallel_loop3A_19 : i32 to index
        %parallel_loop3A_121 = arith.constant 64 : index
        %parallel_loop3A_122 = tpu.vector_load %arg6[%parallel_loop3A_119, %parallel_loop3A_120, %parallel_loop3A_121] {strides = array<i32>} : memref<1x192x256xf32, #tpu.memory_space<vmem>>, vector<1x1x16xf32>,
        %parallel_loop3A_123 = vector.shape_cast %parallel_loop3A_122 : vector<1x1x16xf32> to vector<16xf32>
        %parallel_loop3A_124 = vector.shape_cast %parallel_loop3A_117 : vector<16xf32> to vector<1x1x16xf32>
        tpu.vector_store %arg6[%parallel_loop3A_119, %parallel_loop3A_120, %parallel_loop3A_121], %parallel_loop3A_124 {strides = array<i32>} : memref<1x192x256xf32, #tpu.memory_space<vmem>>, vector<1x1x16xf32>,
        %parallel_loop3A_125 = arith.constant 0 : i32
        %parallel_loop3A_126 = arith.index_cast %parallel_loop3A_125 : i32 to index
        %parallel_loop3A_127 = arith.index_cast %parallel_loop3A_19 : i32 to index
        %parallel_loop3A_128 = arith.constant 80 : index
        %parallel_loop3A_129 = tpu.vector_load %arg6[%parallel_loop3A_126, %parallel_loop3A_127, %parallel_loop3A_128] {strides = array<i32>} : memref<1x192x256xf32, #tpu.memory_space<vmem>>, vector<1x1x16xf32>,
        %parallel_loop3A_130 = vector.shape_cast %parallel_loop3A_129 : vector<1x1x16xf32> to vector<16xf32>
        %parallel_loop3A_131 = arith.constant 0.000000e+00 : f32
        %parallel_loop3A_132 = vector.broadcast %parallel_loop3A_131 : f32 to vector<16xf32>
        %parallel_loop3A_133 = arith.maximumf %parallel_loop3A_130, %parallel_loop3A_132 : vector<16xf32>
        %parallel_loop3A_134 = arith.constant 0.000000e+00 : f32
        %parallel_loop3A_135 = vector.broadcast %parallel_loop3A_134 : f32 to vector<16xf32>
        %parallel_loop3A_136 = arith.minimumf %parallel_loop3A_130, %parallel_loop3A_135 : vector<16xf32>
        %parallel_loop3A_137 = math.exp %parallel_loop3A_136 : vector<16xf32>
        %parallel_loop3A_138 = arith.addf %parallel_loop3A_133, %parallel_loop3A_137 : vector<16xf32>
        %parallel_loop3A_139 = arith.constant 0 : i32
        %parallel_loop3A_140 = arith.index_cast %parallel_loop3A_139 : i32 to index
        %parallel_loop3A_141 = arith.index_cast %parallel_loop3A_19 : i32 to index
        %parallel_loop3A_142 = arith.constant 80 : index
        %parallel_loop3A_143 = tpu.vector_load %arg6[%parallel_loop3A_140, %parallel_loop3A_141, %parallel_loop3A_142] {strides = array<i32>} : memref<1x192x256xf32, #tpu.memory_space<vmem>>, vector<1x1x16xf32>,
        %parallel_loop3A_144 = vector.shape_cast %parallel_loop3A_143 : vector<1x1x16xf32> to vector<16xf32>
        %parallel_loop3A_145 = vector.shape_cast %parallel_loop3A_138 : vector<16xf32> to vector<1x1x16xf32>
        tpu.vector_store %arg6[%parallel_loop3A_140, %parallel_loop3A_141, %parallel_loop3A_142], %parallel_loop3A_145 {strides = array<i32>} : memref<1x192x256xf32, #tpu.memory_space<vmem>>, vector<1x1x16xf32>,
        %parallel_loop3A_146 = arith.constant 0 : i32
        %parallel_loop3A_147 = arith.index_cast %parallel_loop3A_146 : i32 to index
        %parallel_loop3A_148 = arith.index_cast %parallel_loop3A_19 : i32 to index
        %parallel_loop3A_149 = arith.constant 96 : index
        %parallel_loop3A_150 = tpu.vector_load %arg6[%parallel_loop3A_147, %parallel_loop3A_148, %parallel_loop3A_149] {strides = array<i32>} : memref<1x192x256xf32, #tpu.memory_space<vmem>>, vector<1x1x16xf32>,
        %parallel_loop3A_151 = vector.shape_cast %parallel_loop3A_150 : vector<1x1x16xf32> to vector<16xf32>
        %parallel_loop3A_152 = arith.constant 0.000000e+00 : f32
        %parallel_loop3A_153 = vector.broadcast %parallel_loop3A_152 : f32 to vector<16xf32>
        %parallel_loop3A_154 = arith.maximumf %parallel_loop3A_151, %parallel_loop3A_153 : vector<16xf32>
        %parallel_loop3A_155 = arith.constant 0.000000e+00 : f32
        %parallel_loop3A_156 = vector.broadcast %parallel_loop3A_155 : f32 to vector<16xf32>
        %parallel_loop3A_157 = arith.minimumf %parallel_loop3A_151, %parallel_loop3A_156 : vector<16xf32>
        %parallel_loop3A_158 = math.exp %parallel_loop3A_157 : vector<16xf32>
        %parallel_loop3A_159 = arith.addf %parallel_loop3A_154, %parallel_loop3A_158 : vector<16xf32>
        %parallel_loop3A_160 = arith.constant 0 : i32
        %parallel_loop3A_161 = arith.index_cast %parallel_loop3A_160 : i32 to index
        %parallel_loop3A_162 = arith.index_cast %parallel_loop3A_19 : i32 to index
        %parallel_loop3A_163 = arith.constant 96 : index
        %parallel_loop3A_164 = tpu.vector_load %arg6[%parallel_loop3A_161, %parallel_loop3A_162, %parallel_loop3A_163] {strides = array<i32>} : memref<1x192x256xf32, #tpu.memory_space<vmem>>, vector<1x1x16xf32>,
        %parallel_loop3A_165 = vector.shape_cast %parallel_loop3A_164 : vector<1x1x16xf32> to vector<16xf32>
        %parallel_loop3A_166 = vector.shape_cast %parallel_loop3A_159 : vector<16xf32> to vector<1x1x16xf32>
        tpu.vector_store %arg6[%parallel_loop3A_161, %parallel_loop3A_162, %parallel_loop3A_163], %parallel_loop3A_166 {strides = array<i32>} : memref<1x192x256xf32, #tpu.memory_space<vmem>>, vector<1x1x16xf32>,
        %parallel_loop3A_167 = arith.constant 0 : i32
        %parallel_loop3A_168 = arith.index_cast %parallel_loop3A_167 : i32 to index
        %parallel_loop3A_169 = arith.index_cast %parallel_loop3A_19 : i32 to index
        %parallel_loop3A_170 = arith.constant 112 : index
        %parallel_loop3A_171 = tpu.vector_load %arg6[%parallel_loop3A_168, %parallel_loop3A_169, %parallel_loop3A_170] {strides = array<i32>} : memref<1x192x256xf32, #tpu.memory_space<vmem>>, vector<1x1x16xf32>,
        %parallel_loop3A_172 = vector.shape_cast %parallel_loop3A_171 : vector<1x1x16xf32> to vector<16xf32>
        %parallel_loop3A_173 = arith.constant 0.000000e+00 : f32
        %parallel_loop3A_174 = vector.broadcast %parallel_loop3A_173 : f32 to vector<16xf32>
        %parallel_loop3A_175 = arith.maximumf %parallel_loop3A_172, %parallel_loop3A_174 : vector<16xf32>
        %parallel_loop3A_176 = arith.constant 0.000000e+00 : f32
        %parallel_loop3A_177 = vector.broadcast %parallel_loop3A_176 : f32 to vector<16xf32>
        %parallel_loop3A_178 = arith.minimumf %parallel_loop3A_172, %parallel_loop3A_177 : vector<16xf32>
        %parallel_loop3A_179 = math.exp %parallel_loop3A_178 : vector<16xf32>
        %parallel_loop3A_180 = arith.addf %parallel_loop3A_175, %parallel_loop3A_179 : vector<16xf32>
        %parallel_loop3A_181 = arith.constant 0 : i32
        %parallel_loop3A_182 = arith.index_cast %parallel_loop3A_181 : i32 to index
        %parallel_loop3A_183 = arith.index_cast %parallel_loop3A_19 : i32 to index
        %parallel_loop3A_184 = arith.constant 112 : index
        %parallel_loop3A_185 = tpu.vector_load %arg6[%parallel_loop3A_182, %parallel_loop3A_183, %parallel_loop3A_184] {strides = array<i32>} : memref<1x192x256xf32, #tpu.memory_space<vmem>>, vector<1x1x16xf32>,
        %parallel_loop3A_186 = vector.shape_cast %parallel_loop3A_185 : vector<1x1x16xf32> to vector<16xf32>
        %parallel_loop3A_187 = vector.shape_cast %parallel_loop3A_180 : vector<16xf32> to vector<1x1x16xf32>
        tpu.vector_store %arg6[%parallel_loop3A_182, %parallel_loop3A_183, %parallel_loop3A_184], %parallel_loop3A_187 {strides = array<i32>} : memref<1x192x256xf32, #tpu.memory_space<vmem>>, vector<1x1x16xf32>,
        %parallel_loop3A_188 = arith.constant 0 : i32
        %parallel_loop3A_189 = arith.index_cast %parallel_loop3A_188 : i32 to index
        %parallel_loop3A_190 = arith.index_cast %parallel_loop3A_19 : i32 to index
        %parallel_loop3A_191 = arith.constant 128 : index
        %parallel_loop3A_192 = tpu.vector_load %arg6[%parallel_loop3A_189, %parallel_loop3A_190, %parallel_loop3A_191] {strides = array<i32>} : memref<1x192x256xf32, #tpu.memory_space<vmem>>, vector<1x1x16xf32>,
        %parallel_loop3A_193 = vector.shape_cast %parallel_loop3A_192 : vector<1x1x16xf32> to vector<16xf32>
        %parallel_loop3A_194 = arith.constant 0.000000e+00 : f32
        %parallel_loop3A_195 = vector.broadcast %parallel_loop3A_194 : f32 to vector<16xf32>
        %parallel_loop3A_196 = arith.maximumf %parallel_loop3A_193, %parallel_loop3A_195 : vector<16xf32>
        %parallel_loop3A_197 = arith.constant 0.000000e+00 : f32
        %parallel_loop3A_198 = vector.broadcast %parallel_loop3A_197 : f32 to vector<16xf32>
        %parallel_loop3A_199 = arith.minimumf %parallel_loop3A_193, %parallel_loop3A_198 : vector<16xf32>
        %parallel_loop3A_200 = math.exp %parallel_loop3A_199 : vector<16xf32>
        %parallel_loop3A_201 = arith.addf %parallel_loop3A_196, %parallel_loop3A_200 : vector<16xf32>
        %parallel_loop3A_202 = arith.constant 0 : i32
        %parallel_loop3A_203 = arith.index_cast %parallel_loop3A_202 : i32 to index
        %parallel_loop3A_204 = arith.index_cast %parallel_loop3A_19 : i32 to index
        %parallel_loop3A_205 = arith.constant 128 : index
        %parallel_loop3A_206 = tpu.vector_load %arg6[%parallel_loop3A_203, %parallel_loop3A_204, %parallel_loop3A_205] {strides = array<i32>} : memref<1x192x256xf32, #tpu.memory_space<vmem>>, vector<1x1x16xf32>,
        %parallel_loop3A_207 = vector.shape_cast %parallel_loop3A_206 : vector<1x1x16xf32> to vector<16xf32>
        %parallel_loop3A_208 = vector.shape_cast %parallel_loop3A_201 : vector<16xf32> to vector<1x1x16xf32>
        tpu.vector_store %arg6[%parallel_loop3A_203, %parallel_loop3A_204, %parallel_loop3A_205], %parallel_loop3A_208 {strides = array<i32>} : memref<1x192x256xf32, #tpu.memory_space<vmem>>, vector<1x1x16xf32>,
        %parallel_loop3A_209 = arith.constant 0 : i32
        %parallel_loop3A_210 = arith.index_cast %parallel_loop3A_209 : i32 to index
        %parallel_loop3A_211 = arith.index_cast %parallel_loop3A_19 : i32 to index
        %parallel_loop3A_212 = arith.constant 144 : index
        %parallel_loop3A_213 = tpu.vector_load %arg6[%parallel_loop3A_210, %parallel_loop3A_211, %parallel_loop3A_212] {strides = array<i32>} : memref<1x192x256xf32, #tpu.memory_space<vmem>>, vector<1x1x16xf32>,
        %parallel_loop3A_214 = vector.shape_cast %parallel_loop3A_213 : vector<1x1x16xf32> to vector<16xf32>
        %parallel_loop3A_215 = arith.constant 0.000000e+00 : f32
        %parallel_loop3A_216 = vector.broadcast %parallel_loop3A_215 : f32 to vector<16xf32>
        %parallel_loop3A_217 = arith.maximumf %parallel_loop3A_214, %parallel_loop3A_216 : vector<16xf32>
        %parallel_loop3A_218 = arith.constant 0.000000e+00 : f32
        %parallel_loop3A_219 = vector.broadcast %parallel_loop3A_218 : f32 to vector<16xf32>
        %parallel_loop3A_220 = arith.minimumf %parallel_loop3A_214, %parallel_loop3A_219 : vector<16xf32>
        %parallel_loop3A_221 = math.exp %parallel_loop3A_220 : vector<16xf32>
        %parallel_loop3A_222 = arith.addf %parallel_loop3A_217, %parallel_loop3A_221 : vector<16xf32>
        %parallel_loop3A_223 = arith.constant 0 : i32
        %parallel_loop3A_224 = arith.index_cast %parallel_loop3A_223 : i32 to index
        %parallel_loop3A_225 = arith.index_cast %parallel_loop3A_19 : i32 to index
        %parallel_loop3A_226 = arith.constant 144 : index
        %parallel_loop3A_227 = tpu.vector_load %arg6[%parallel_loop3A_224, %parallel_loop3A_225, %parallel_loop3A_226] {strides = array<i32>} : memref<1x192x256xf32, #tpu.memory_space<vmem>>, vector<1x1x16xf32>,
        %parallel_loop3A_228 = vector.shape_cast %parallel_loop3A_227 : vector<1x1x16xf32> to vector<16xf32>
        %parallel_loop3A_229 = vector.shape_cast %parallel_loop3A_222 : vector<16xf32> to vector<1x1x16xf32>
        tpu.vector_store %arg6[%parallel_loop3A_224, %parallel_loop3A_225, %parallel_loop3A_226], %parallel_loop3A_229 {strides = array<i32>} : memref<1x192x256xf32, #tpu.memory_space<vmem>>, vector<1x1x16xf32>,
        %parallel_loop3A_230 = arith.constant 0 : i32
        %parallel_loop3A_231 = arith.index_cast %parallel_loop3A_230 : i32 to index
        %parallel_loop3A_232 = arith.index_cast %parallel_loop3A_19 : i32 to index
        %parallel_loop3A_233 = arith.constant 160 : index
        %parallel_loop3A_234 = tpu.vector_load %arg6[%parallel_loop3A_231, %parallel_loop3A_232, %parallel_loop3A_233] {strides = array<i32>} : memref<1x192x256xf32, #tpu.memory_space<vmem>>, vector<1x1x16xf32>,
        %parallel_loop3A_235 = vector.shape_cast %parallel_loop3A_234 : vector<1x1x16xf32> to vector<16xf32>
        %parallel_loop3A_236 = arith.constant 0.000000e+00 : f32
        %parallel_loop3A_237 = vector.broadcast %parallel_loop3A_236 : f32 to vector<16xf32>
        %parallel_loop3A_238 = arith.maximumf %parallel_loop3A_235, %parallel_loop3A_237 : vector<16xf32>
        %parallel_loop3A_239 = arith.constant 0.000000e+00 : f32
        %parallel_loop3A_240 = vector.broadcast %parallel_loop3A_239 : f32 to vector<16xf32>
        %parallel_loop3A_241 = arith.minimumf %parallel_loop3A_235, %parallel_loop3A_240 : vector<16xf32>
        %parallel_loop3A_242 = math.exp %parallel_loop3A_241 : vector<16xf32>
        %parallel_loop3A_243 = arith.addf %parallel_loop3A_238, %parallel_loop3A_242 : vector<16xf32>
        %parallel_loop3A_244 = arith.constant 0 : i32
        %parallel_loop3A_245 = arith.index_cast %parallel_loop3A_244 : i32 to index
        %parallel_loop3A_246 = arith.index_cast %parallel_loop3A_19 : i32 to index
        %parallel_loop3A_247 = arith.constant 160 : index
        %parallel_loop3A_248 = tpu.vector_load %arg6[%parallel_loop3A_245, %parallel_loop3A_246, %parallel_loop3A_247] {strides = array<i32>} : memref<1x192x256xf32, #tpu.memory_space<vmem>>, vector<1x1x16xf32>,
        %parallel_loop3A_249 = vector.shape_cast %parallel_loop3A_248 : vector<1x1x16xf32> to vector<16xf32>
        %parallel_loop3A_250 = vector.shape_cast %parallel_loop3A_243 : vector<16xf32> to vector<1x1x16xf32>
        tpu.vector_store %arg6[%parallel_loop3A_245, %parallel_loop3A_246, %parallel_loop3A_247], %parallel_loop3A_250 {strides = array<i32>} : memref<1x192x256xf32, #tpu.memory_space<vmem>>, vector<1x1x16xf32>,
        %parallel_loop3A_251 = arith.constant 0 : i32
        %parallel_loop3A_252 = arith.index_cast %parallel_loop3A_251 : i32 to index
        %parallel_loop3A_253 = arith.index_cast %parallel_loop3A_19 : i32 to index
        %parallel_loop3A_254 = arith.constant 176 : index
        %parallel_loop3A_255 = tpu.vector_load %arg6[%parallel_loop3A_252, %parallel_loop3A_253, %parallel_loop3A_254] {strides = array<i32>} : memref<1x192x256xf32, #tpu.memory_space<vmem>>, vector<1x1x16xf32>,
        %parallel_loop3A_256 = vector.shape_cast %parallel_loop3A_255 : vector<1x1x16xf32> to vector<16xf32>
        %parallel_loop3A_257 = arith.constant 0.000000e+00 : f32
        %parallel_loop3A_258 = vector.broadcast %parallel_loop3A_257 : f32 to vector<16xf32>
        %parallel_loop3A_259 = arith.maximumf %parallel_loop3A_256, %parallel_loop3A_258 : vector<16xf32>
        %parallel_loop3A_260 = arith.constant 0.000000e+00 : f32
        %parallel_loop3A_261 = vector.broadcast %parallel_loop3A_260 : f32 to vector<16xf32>
        %parallel_loop3A_262 = arith.minimumf %parallel_loop3A_256, %parallel_loop3A_261 : vector<16xf32>
        %parallel_loop3A_263 = math.exp %parallel_loop3A_262 : vector<16xf32>
        %parallel_loop3A_264 = arith.addf %parallel_loop3A_259, %parallel_loop3A_263 : vector<16xf32>
        %parallel_loop3A_265 = arith.constant 0 : i32
        %parallel_loop3A_266 = arith.index_cast %parallel_loop3A_265 : i32 to index
        %parallel_loop3A_267 = arith.index_cast %parallel_loop3A_19 : i32 to index
        %parallel_loop3A_268 = arith.constant 176 : index
        %parallel_loop3A_269 = tpu.vector_load %arg6[%parallel_loop3A_266, %parallel_loop3A_267, %parallel_loop3A_268] {strides = array<i32>} : memref<1x192x256xf32, #tpu.memory_space<vmem>>, vector<1x1x16xf32>,
        %parallel_loop3A_270 = vector.shape_cast %parallel_loop3A_269 : vector<1x1x16xf32> to vector<16xf32>
        %parallel_loop3A_271 = vector.shape_cast %parallel_loop3A_264 : vector<16xf32> to vector<1x1x16xf32>
        tpu.vector_store %arg6[%parallel_loop3A_266, %parallel_loop3A_267, %parallel_loop3A_268], %parallel_loop3A_271 {strides = array<i32>} : memref<1x192x256xf32, #tpu.memory_space<vmem>>, vector<1x1x16xf32>,
        %parallel_loop3A_272 = arith.constant 0 : i32
        %parallel_loop3A_273 = arith.index_cast %parallel_loop3A_272 : i32 to index
        %parallel_loop3A_274 = arith.index_cast %parallel_loop3A_19 : i32 to index
        %parallel_loop3A_275 = arith.constant 192 : index
        %parallel_loop3A_276 = tpu.vector_load %arg6[%parallel_loop3A_273, %parallel_loop3A_274, %parallel_loop3A_275] {strides = array<i32>} : memref<1x192x256xf32, #tpu.memory_space<vmem>>, vector<1x1x16xf32>,
        %parallel_loop3A_277 = vector.shape_cast %parallel_loop3A_276 : vector<1x1x16xf32> to vector<16xf32>
        %parallel_loop3A_278 = arith.constant 0.000000e+00 : f32
        %parallel_loop3A_279 = vector.broadcast %parallel_loop3A_278 : f32 to vector<16xf32>
        %parallel_loop3A_280 = arith.maximumf %parallel_loop3A_277, %parallel_loop3A_279 : vector<16xf32>
        %parallel_loop3A_281 = arith.constant 0.000000e+00 : f32
        %parallel_loop3A_282 = vector.broadcast %parallel_loop3A_281 : f32 to vector<16xf32>
        %parallel_loop3A_283 = arith.minimumf %parallel_loop3A_277, %parallel_loop3A_282 : vector<16xf32>
        %parallel_loop3A_284 = math.exp %parallel_loop3A_283 : vector<16xf32>
        %parallel_loop3A_285 = arith.addf %parallel_loop3A_280, %parallel_loop3A_284 : vector<16xf32>
        %parallel_loop3A_286 = arith.constant 0 : i32
        %parallel_loop3A_287 = arith.index_cast %parallel_loop3A_286 : i32 to index
        %parallel_loop3A_288 = arith.index_cast %parallel_loop3A_19 : i32 to index
        %parallel_loop3A_289 = arith.constant 192 : index
        %parallel_loop3A_290 = tpu.vector_load %arg6[%parallel_loop3A_287, %parallel_loop3A_288, %parallel_loop3A_289] {strides = array<i32>} : memref<1x192x256xf32, #tpu.memory_space<vmem>>, vector<1x1x16xf32>,
        %parallel_loop3A_291 = vector.shape_cast %parallel_loop3A_290 : vector<1x1x16xf32> to vector<16xf32>
        %parallel_loop3A_292 = vector.shape_cast %parallel_loop3A_285 : vector<16xf32> to vector<1x1x16xf32>
        tpu.vector_store %arg6[%parallel_loop3A_287, %parallel_loop3A_288, %parallel_loop3A_289], %parallel_loop3A_292 {strides = array<i32>} : memref<1x192x256xf32, #tpu.memory_space<vmem>>, vector<1x1x16xf32>,
        %parallel_loop3A_293 = arith.constant 0 : i32
        %parallel_loop3A_294 = arith.index_cast %parallel_loop3A_293 : i32 to index
        %parallel_loop3A_295 = arith.index_cast %parallel_loop3A_19 : i32 to index
        %parallel_loop3A_296 = arith.constant 208 : index
        %parallel_loop3A_297 = tpu.vector_load %arg6[%parallel_loop3A_294, %parallel_loop3A_295, %parallel_loop3A_296] {strides = array<i32>} : memref<1x192x256xf32, #tpu.memory_space<vmem>>, vector<1x1x16xf32>,
        %parallel_loop3A_298 = vector.shape_cast %parallel_loop3A_297 : vector<1x1x16xf32> to vector<16xf32>
        %parallel_loop3A_299 = arith.constant 0.000000e+00 : f32
        %parallel_loop3A_300 = vector.broadcast %parallel_loop3A_299 : f32 to vector<16xf32>
        %parallel_loop3A_301 = arith.maximumf %parallel_loop3A_298, %parallel_loop3A_300 : vector<16xf32>
        %parallel_loop3A_302 = arith.constant 0.000000e+00 : f32
        %parallel_loop3A_303 = vector.broadcast %parallel_loop3A_302 : f32 to vector<16xf32>
        %parallel_loop3A_304 = arith.minimumf %parallel_loop3A_298, %parallel_loop3A_303 : vector<16xf32>
        %parallel_loop3A_305 = math.exp %parallel_loop3A_304 : vector<16xf32>
        %parallel_loop3A_306 = arith.addf %parallel_loop3A_301, %parallel_loop3A_305 : vector<16xf32>
        %parallel_loop3A_307 = arith.constant 0 : i32
        %parallel_loop3A_308 = arith.index_cast %parallel_loop3A_307 : i32 to index
        %parallel_loop3A_309 = arith.index_cast %parallel_loop3A_19 : i32 to index
        %parallel_loop3A_310 = arith.constant 208 : index
        %parallel_loop3A_311 = tpu.vector_load %arg6[%parallel_loop3A_308, %parallel_loop3A_309, %parallel_loop3A_310] {strides = array<i32>} : memref<1x192x256xf32, #tpu.memory_space<vmem>>, vector<1x1x16xf32>,
        %parallel_loop3A_312 = vector.shape_cast %parallel_loop3A_311 : vector<1x1x16xf32> to vector<16xf32>
        %parallel_loop3A_313 = vector.shape_cast %parallel_loop3A_306 : vector<16xf32> to vector<1x1x16xf32>
        tpu.vector_store %arg6[%parallel_loop3A_308, %parallel_loop3A_309, %parallel_loop3A_310], %parallel_loop3A_313 {strides = array<i32>} : memref<1x192x256xf32, #tpu.memory_space<vmem>>, vector<1x1x16xf32>,
        %parallel_loop3A_314 = arith.constant 0 : i32
        %parallel_loop3A_315 = arith.index_cast %parallel_loop3A_314 : i32 to index
        %parallel_loop3A_316 = arith.index_cast %parallel_loop3A_19 : i32 to index
        %parallel_loop3A_317 = arith.constant 224 : index
        %parallel_loop3A_318 = tpu.vector_load %arg6[%parallel_loop3A_315, %parallel_loop3A_316, %parallel_loop3A_317] {strides = array<i32>} : memref<1x192x256xf32, #tpu.memory_space<vmem>>, vector<1x1x16xf32>,
        %parallel_loop3A_319 = vector.shape_cast %parallel_loop3A_318 : vector<1x1x16xf32> to vector<16xf32>
        %parallel_loop3A_320 = arith.constant 0.000000e+00 : f32
        %parallel_loop3A_321 = vector.broadcast %parallel_loop3A_320 : f32 to vector<16xf32>
        %parallel_loop3A_322 = arith.maximumf %parallel_loop3A_319, %parallel_loop3A_321 : vector<16xf32>
        %parallel_loop3A_323 = arith.constant 0.000000e+00 : f32
        %parallel_loop3A_324 = vector.broadcast %parallel_loop3A_323 : f32 to vector<16xf32>
        %parallel_loop3A_325 = arith.minimumf %parallel_loop3A_319, %parallel_loop3A_324 : vector<16xf32>
        %parallel_loop3A_326 = math.exp %parallel_loop3A_325 : vector<16xf32>
        %parallel_loop3A_327 = arith.addf %parallel_loop3A_322, %parallel_loop3A_326 : vector<16xf32>
        %parallel_loop3A_328 = arith.constant 0 : i32
        %parallel_loop3A_329 = arith.index_cast %parallel_loop3A_328 : i32 to index
        %parallel_loop3A_330 = arith.index_cast %parallel_loop3A_19 : i32 to index
        %parallel_loop3A_331 = arith.constant 224 : index
        %parallel_loop3A_332 = tpu.vector_load %arg6[%parallel_loop3A_329, %parallel_loop3A_330, %parallel_loop3A_331] {strides = array<i32>} : memref<1x192x256xf32, #tpu.memory_space<vmem>>, vector<1x1x16xf32>,
        %parallel_loop3A_333 = vector.shape_cast %parallel_loop3A_332 : vector<1x1x16xf32> to vector<16xf32>
        %parallel_loop3A_334 = vector.shape_cast %parallel_loop3A_327 : vector<16xf32> to vector<1x1x16xf32>
        tpu.vector_store %arg6[%parallel_loop3A_329, %parallel_loop3A_330, %parallel_loop3A_331], %parallel_loop3A_334 {strides = array<i32>} : memref<1x192x256xf32, #tpu.memory_space<vmem>>, vector<1x1x16xf32>,
        %parallel_loop3A_335 = arith.constant 0 : i32
        %parallel_loop3A_336 = arith.index_cast %parallel_loop3A_335 : i32 to index
        %parallel_loop3A_337 = arith.index_cast %parallel_loop3A_19 : i32 to index
        %parallel_loop3A_338 = arith.constant 240 : index
        %parallel_loop3A_339 = tpu.vector_load %arg6[%parallel_loop3A_336, %parallel_loop3A_337, %parallel_loop3A_338] {strides = array<i32>} : memref<1x192x256xf32, #tpu.memory_space<vmem>>, vector<1x1x16xf32>,
        %parallel_loop3A_340 = vector.shape_cast %parallel_loop3A_339 : vector<1x1x16xf32> to vector<16xf32>
        %parallel_loop3A_341 = arith.constant 0.000000e+00 : f32
        %parallel_loop3A_342 = vector.broadcast %parallel_loop3A_341 : f32 to vector<16xf32>
        %parallel_loop3A_343 = arith.maximumf %parallel_loop3A_340, %parallel_loop3A_342 : vector<16xf32>
        %parallel_loop3A_344 = arith.constant 0.000000e+00 : f32
        %parallel_loop3A_345 = vector.broadcast %parallel_loop3A_344 : f32 to vector<16xf32>
        %parallel_loop3A_346 = arith.minimumf %parallel_loop3A_340, %parallel_loop3A_345 : vector<16xf32>
        %parallel_loop3A_347 = math.exp %parallel_loop3A_346 : vector<16xf32>
        %parallel_loop3A_348 = arith.addf %parallel_loop3A_343, %parallel_loop3A_347 : vector<16xf32>
        %parallel_loop3A_349 = arith.constant 0 : i32
        %parallel_loop3A_350 = arith.index_cast %parallel_loop3A_349 : i32 to index
        %parallel_loop3A_351 = arith.index_cast %parallel_loop3A_19 : i32 to index
        %parallel_loop3A_352 = arith.constant 240 : index
        %parallel_loop3A_353 = tpu.vector_load %arg6[%parallel_loop3A_350, %parallel_loop3A_351, %parallel_loop3A_352] {strides = array<i32>} : memref<1x192x256xf32, #tpu.memory_space<vmem>>, vector<1x1x16xf32>,
        %parallel_loop3A_354 = vector.shape_cast %parallel_loop3A_353 : vector<1x1x16xf32> to vector<16xf32>
        %parallel_loop3A_355 = vector.shape_cast %parallel_loop3A_348 : vector<16xf32> to vector<1x1x16xf32>
        tpu.vector_store %arg6[%parallel_loop3A_350, %parallel_loop3A_351, %parallel_loop3A_352], %parallel_loop3A_355 {strides = array<i32>} : memref<1x192x256xf32, #tpu.memory_space<vmem>>, vector<1x1x16xf32>,
      } {sc.loop_unroll_factor = 2 : i64, sc.parallel_access}
      "tpu.region"() ({
        %run_scoped3A = tpu.sem_alloc : memref<!tpu.dma_semaphore, #tpu.memory_space<semaphore_mem>>
        %dma_start3A_19 = arith.constant 0 : i32
        %dma_start3A_20 = arith.constant 0 : i32
        %dma_start3A_21 = tpu.memref_slice %arg4[%add3A, %dma_start3A_19, %dma_start3A_20] : memref<16x192x256xf32, #tpu.memory_space<hbm>> -> memref<1x192x256xf32, #tpu.memory_space<hbm>>
        %dma_start3A_22 = arith.constant 0 : i32
        %dma_start3A_23 = arith.constant 0 : i32
        %dma_start3A_24 = tpu.memref_slice %arg4[%add3A, %dma_start3A_22, %dma_start3A_23] : memref<16x192x256xf32, #tpu.memory_space<hbm>> -> memref<1x192x256xf32, #tpu.memory_space<hbm>>
        tpu.enqueue_dma source(%arg6 : memref<1x192x256xf32, #tpu.memory_space<vmem>>) target(%dma_start3A_24 : memref<1x192x256xf32, #tpu.memory_space<hbm>>) target_semaphore(%run_scoped3A : memref<!tpu.dma_semaphore, #tpu.memory_space<semaphore_mem>>)
        %dma_wait3A_25 = arith.constant 0 : i32
        %dma_wait3A_26 = arith.constant 0 : i32
        %dma_wait3A_27 = tpu.memref_slice %arg4[%add3A, %dma_wait3A_25, %dma_wait3A_26] : memref<16x192x256xf32, #tpu.memory_space<hbm>> -> memref<1x192x256xf32, #tpu.memory_space<hbm>>
        %dma_wait3A_28 = arith.constant 0 : i32
        %dma_wait3A_29 = arith.constant 0 : i32
        %dma_wait3A_30 = tpu.memref_slice %arg4[%add3A, %dma_wait3A_28, %dma_wait3A_29] : memref<16x192x256xf32, #tpu.memory_space<hbm>> -> memref<1x192x256xf32, #tpu.memory_space<hbm>>
        tpu.wait_dma2 semaphore(%run_scoped3A : memref<!tpu.dma_semaphore, #tpu.memory_space<semaphore_mem>>) src(%arg6 : memref<1x192x256xf32, #tpu.memory_space<vmem>>) dst(%dma_wait3A_30 : memref<1x192x256xf32, #tpu.memory_space<hbm>>)
        tpu.yield
      }) : () -> ()
    } else {
    }
    return
  }
}

module attributes {stable_mosaic.version = 14 : i64} {
  func.func @_tc_body(%arg0: i32, %arg1: memref<48xi32, #tpu.memory_space<smem>>, %arg2: memref<1x192x256xf32, #tpu.memory_space<vmem>>, %arg3: memref<1x192x256xf32, #tpu.memory_space<vmem>>, %arg4: memref<1x192x256xf32, #tpu.memory_space<vmem>>, %arg5: memref<1x192x256xf32, #tpu.memory_space<vmem>>, %arg6: memref<1x192x256xf32, #tpu.memory_space<vmem>>, %arg7: memref<1x192x256xf32, #tpu.memory_space<vmem>>, %arg8: memref<1x192x256xf32, #tpu.memory_space<vmem>>, %arg9: memref<1x192x256xf32, #tpu.memory_space<vmem>>, %arg10: memref<8x192x256xf32, #tpu.memory_space<vmem>>) attributes {dimension_semantics = [#tpu.dimension_semantics<arbitrary>], iteration_bounds = array<i64: 6>, scalar_prefetch = 1 : i64, scratch_operands = 0 : i64, tpu.core_type = #tpu.core_type<tc>, window_params = [{transform_indices = @transform_0, window_bounds = array<i64: 1, 192, 256>}, {transform_indices = @transform_1, window_bounds = array<i64: 1, 192, 256>}, {transform_indices = @transform_2, window_bounds = array<i64: 1, 192, 256>}, {transform_indices = @transform_3, window_bounds = array<i64: 1, 192, 256>}, {transform_indices = @transform_4, window_bounds = array<i64: 1, 192, 256>}, {transform_indices = @transform_5, window_bounds = array<i64: 1, 192, 256>}, {transform_indices = @transform_6, window_bounds = array<i64: 1, 192, 256>}, {transform_indices = @transform_7, window_bounds = array<i64: 1, 192, 256>}, {transform_indices = @transform_8, window_bounds = array<i64: 8, 192, 256>}]} {
    %get3A = arith.constant 0 : index
    %get3A_0 = arith.constant 0 : index
    %get3A_1 = arith.constant 0 : index
    %get3A_2 = vector.load %arg2[%get3A, %get3A_0, %get3A_1] : memref<1x192x256xf32, #tpu.memory_space<vmem>>, vector<1x192x256xf32>
    %squeeze3A = vector.shape_cast %get3A_2 : vector<1x192x256xf32> to vector<192x256xf32>
    %max3A = arith.constant 0.000000e+00 : f32
    %max3A_3 = vector.broadcast %max3A : f32 to vector<192x256xf32>
    %max3A_4 = arith.maximumf %squeeze3A, %max3A_3 : vector<192x256xf32>
    %squeeze3A_5 = vector.shape_cast %get3A_2 : vector<1x192x256xf32> to vector<192x256xf32>
    %min3A = arith.constant 0.000000e+00 : f32
    %min3A_6 = vector.broadcast %min3A : f32 to vector<192x256xf32>
    %min3A_7 = arith.minimumf %squeeze3A_5, %min3A_6 : vector<192x256xf32>
    %exp3A = math.exp %min3A_7 : vector<192x256xf32>
    %add3A = arith.addf %max3A_4, %exp3A : vector<192x256xf32>
    %swap3A = arith.constant 0 : index
    %swap3A_8 = arith.constant 0 : index
    %swap3A_9 = arith.constant 0 : index
    %swap3A_10 = vector.load %arg10[%swap3A, %swap3A_8, %swap3A_9] : memref<8x192x256xf32, #tpu.memory_space<vmem>>, vector<1x192x256xf32>
    %swap3A_11 = vector.shape_cast %swap3A_10 : vector<1x192x256xf32> to vector<192x256xf32>
    %swap3A_12 = vector.shape_cast %add3A : vector<192x256xf32> to vector<1x192x256xf32>
    tpu.vector_store %arg10[%swap3A, %swap3A_8, %swap3A_9], %swap3A_12 {strides = array<i32>} : memref<8x192x256xf32, #tpu.memory_space<vmem>>, vector<1x192x256xf32>,
    %get3A_13 = arith.constant 0 : index
    %get3A_14 = arith.constant 0 : index
    %get3A_15 = arith.constant 0 : index
    %get3A_16 = vector.load %arg3[%get3A_13, %get3A_14, %get3A_15] : memref<1x192x256xf32, #tpu.memory_space<vmem>>, vector<1x192x256xf32>
    %squeeze3A_17 = vector.shape_cast %get3A_16 : vector<1x192x256xf32> to vector<192x256xf32>
    %max3A_18 = arith.constant 0.000000e+00 : f32
    %max3A_19 = vector.broadcast %max3A_18 : f32 to vector<192x256xf32>
    %max3A_20 = arith.maximumf %squeeze3A_17, %max3A_19 : vector<192x256xf32>
    %squeeze3A_21 = vector.shape_cast %get3A_16 : vector<1x192x256xf32> to vector<192x256xf32>
    %min3A_22 = arith.constant 0.000000e+00 : f32
    %min3A_23 = vector.broadcast %min3A_22 : f32 to vector<192x256xf32>
    %min3A_24 = arith.minimumf %squeeze3A_21, %min3A_23 : vector<192x256xf32>
    %exp3A_25 = math.exp %min3A_24 : vector<192x256xf32>
    %add3A_26 = arith.addf %max3A_20, %exp3A_25 : vector<192x256xf32>
    %swap3A_27 = arith.constant 1 : index
    %swap3A_28 = arith.constant 0 : index
    %swap3A_29 = arith.constant 0 : index
    %swap3A_30 = vector.load %arg10[%swap3A_27, %swap3A_28, %swap3A_29] : memref<8x192x256xf32, #tpu.memory_space<vmem>>, vector<1x192x256xf32>
    %swap3A_31 = vector.shape_cast %swap3A_30 : vector<1x192x256xf32> to vector<192x256xf32>
    %swap3A_32 = vector.shape_cast %add3A_26 : vector<192x256xf32> to vector<1x192x256xf32>
    tpu.vector_store %arg10[%swap3A_27, %swap3A_28, %swap3A_29], %swap3A_32 {strides = array<i32>} : memref<8x192x256xf32, #tpu.memory_space<vmem>>, vector<1x192x256xf32>,
    %get3A_33 = arith.constant 0 : index
    %get3A_34 = arith.constant 0 : index
    %get3A_35 = arith.constant 0 : index
    %get3A_36 = vector.load %arg4[%get3A_33, %get3A_34, %get3A_35] : memref<1x192x256xf32, #tpu.memory_space<vmem>>, vector<1x192x256xf32>
    %squeeze3A_37 = vector.shape_cast %get3A_36 : vector<1x192x256xf32> to vector<192x256xf32>
    %max3A_38 = arith.constant 0.000000e+00 : f32
    %max3A_39 = vector.broadcast %max3A_38 : f32 to vector<192x256xf32>
    %max3A_40 = arith.maximumf %squeeze3A_37, %max3A_39 : vector<192x256xf32>
    %squeeze3A_41 = vector.shape_cast %get3A_36 : vector<1x192x256xf32> to vector<192x256xf32>
    %min3A_42 = arith.constant 0.000000e+00 : f32
    %min3A_43 = vector.broadcast %min3A_42 : f32 to vector<192x256xf32>
    %min3A_44 = arith.minimumf %squeeze3A_41, %min3A_43 : vector<192x256xf32>
    %exp3A_45 = math.exp %min3A_44 : vector<192x256xf32>
    %add3A_46 = arith.addf %max3A_40, %exp3A_45 : vector<192x256xf32>
    %swap3A_47 = arith.constant 2 : index
    %swap3A_48 = arith.constant 0 : index
    %swap3A_49 = arith.constant 0 : index
    %swap3A_50 = vector.load %arg10[%swap3A_47, %swap3A_48, %swap3A_49] : memref<8x192x256xf32, #tpu.memory_space<vmem>>, vector<1x192x256xf32>
    %swap3A_51 = vector.shape_cast %swap3A_50 : vector<1x192x256xf32> to vector<192x256xf32>
    %swap3A_52 = vector.shape_cast %add3A_46 : vector<192x256xf32> to vector<1x192x256xf32>
    tpu.vector_store %arg10[%swap3A_47, %swap3A_48, %swap3A_49], %swap3A_52 {strides = array<i32>} : memref<8x192x256xf32, #tpu.memory_space<vmem>>, vector<1x192x256xf32>,
    %get3A_53 = arith.constant 0 : index
    %get3A_54 = arith.constant 0 : index
    %get3A_55 = arith.constant 0 : index
    %get3A_56 = vector.load %arg5[%get3A_53, %get3A_54, %get3A_55] : memref<1x192x256xf32, #tpu.memory_space<vmem>>, vector<1x192x256xf32>
    %squeeze3A_57 = vector.shape_cast %get3A_56 : vector<1x192x256xf32> to vector<192x256xf32>
    %max3A_58 = arith.constant 0.000000e+00 : f32
    %max3A_59 = vector.broadcast %max3A_58 : f32 to vector<192x256xf32>
    %max3A_60 = arith.maximumf %squeeze3A_57, %max3A_59 : vector<192x256xf32>
    %squeeze3A_61 = vector.shape_cast %get3A_56 : vector<1x192x256xf32> to vector<192x256xf32>
    %min3A_62 = arith.constant 0.000000e+00 : f32
    %min3A_63 = vector.broadcast %min3A_62 : f32 to vector<192x256xf32>
    %min3A_64 = arith.minimumf %squeeze3A_61, %min3A_63 : vector<192x256xf32>
    %exp3A_65 = math.exp %min3A_64 : vector<192x256xf32>
    %add3A_66 = arith.addf %max3A_60, %exp3A_65 : vector<192x256xf32>
    %swap3A_67 = arith.constant 3 : index
    %swap3A_68 = arith.constant 0 : index
    %swap3A_69 = arith.constant 0 : index
    %swap3A_70 = vector.load %arg10[%swap3A_67, %swap3A_68, %swap3A_69] : memref<8x192x256xf32, #tpu.memory_space<vmem>>, vector<1x192x256xf32>
    %swap3A_71 = vector.shape_cast %swap3A_70 : vector<1x192x256xf32> to vector<192x256xf32>
    %swap3A_72 = vector.shape_cast %add3A_66 : vector<192x256xf32> to vector<1x192x256xf32>
    tpu.vector_store %arg10[%swap3A_67, %swap3A_68, %swap3A_69], %swap3A_72 {strides = array<i32>} : memref<8x192x256xf32, #tpu.memory_space<vmem>>, vector<1x192x256xf32>,
    %get3A_73 = arith.constant 0 : index
    %get3A_74 = arith.constant 0 : index
    %get3A_75 = arith.constant 0 : index
    %get3A_76 = vector.load %arg6[%get3A_73, %get3A_74, %get3A_75] : memref<1x192x256xf32, #tpu.memory_space<vmem>>, vector<1x192x256xf32>
    %squeeze3A_77 = vector.shape_cast %get3A_76 : vector<1x192x256xf32> to vector<192x256xf32>
    %max3A_78 = arith.constant 0.000000e+00 : f32
    %max3A_79 = vector.broadcast %max3A_78 : f32 to vector<192x256xf32>
    %max3A_80 = arith.maximumf %squeeze3A_77, %max3A_79 : vector<192x256xf32>
    %squeeze3A_81 = vector.shape_cast %get3A_76 : vector<1x192x256xf32> to vector<192x256xf32>
    %min3A_82 = arith.constant 0.000000e+00 : f32
    %min3A_83 = vector.broadcast %min3A_82 : f32 to vector<192x256xf32>
    %min3A_84 = arith.minimumf %squeeze3A_81, %min3A_83 : vector<192x256xf32>
    %exp3A_85 = math.exp %min3A_84 : vector<192x256xf32>
    %add3A_86 = arith.addf %max3A_80, %exp3A_85 : vector<192x256xf32>
    %swap3A_87 = arith.constant 4 : index
    %swap3A_88 = arith.constant 0 : index
    %swap3A_89 = arith.constant 0 : index
    %swap3A_90 = vector.load %arg10[%swap3A_87, %swap3A_88, %swap3A_89] : memref<8x192x256xf32, #tpu.memory_space<vmem>>, vector<1x192x256xf32>
    %swap3A_91 = vector.shape_cast %swap3A_90 : vector<1x192x256xf32> to vector<192x256xf32>
    %swap3A_92 = vector.shape_cast %add3A_86 : vector<192x256xf32> to vector<1x192x256xf32>
    tpu.vector_store %arg10[%swap3A_87, %swap3A_88, %swap3A_89], %swap3A_92 {strides = array<i32>} : memref<8x192x256xf32, #tpu.memory_space<vmem>>, vector<1x192x256xf32>,
    %get3A_93 = arith.constant 0 : index
    %get3A_94 = arith.constant 0 : index
    %get3A_95 = arith.constant 0 : index
    %get3A_96 = vector.load %arg7[%get3A_93, %get3A_94, %get3A_95] : memref<1x192x256xf32, #tpu.memory_space<vmem>>, vector<1x192x256xf32>
    %squeeze3A_97 = vector.shape_cast %get3A_96 : vector<1x192x256xf32> to vector<192x256xf32>
    %max3A_98 = arith.constant 0.000000e+00 : f32
    %max3A_99 = vector.broadcast %max3A_98 : f32 to vector<192x256xf32>
    %max3A_100 = arith.maximumf %squeeze3A_97, %max3A_99 : vector<192x256xf32>
    %squeeze3A_101 = vector.shape_cast %get3A_96 : vector<1x192x256xf32> to vector<192x256xf32>
    %min3A_102 = arith.constant 0.000000e+00 : f32
    %min3A_103 = vector.broadcast %min3A_102 : f32 to vector<192x256xf32>
    %min3A_104 = arith.minimumf %squeeze3A_101, %min3A_103 : vector<192x256xf32>
    %exp3A_105 = math.exp %min3A_104 : vector<192x256xf32>
    %add3A_106 = arith.addf %max3A_100, %exp3A_105 : vector<192x256xf32>
    %swap3A_107 = arith.constant 5 : index
    %swap3A_108 = arith.constant 0 : index
    %swap3A_109 = arith.constant 0 : index
    %swap3A_110 = vector.load %arg10[%swap3A_107, %swap3A_108, %swap3A_109] : memref<8x192x256xf32, #tpu.memory_space<vmem>>, vector<1x192x256xf32>
    %swap3A_111 = vector.shape_cast %swap3A_110 : vector<1x192x256xf32> to vector<192x256xf32>
    %swap3A_112 = vector.shape_cast %add3A_106 : vector<192x256xf32> to vector<1x192x256xf32>
    tpu.vector_store %arg10[%swap3A_107, %swap3A_108, %swap3A_109], %swap3A_112 {strides = array<i32>} : memref<8x192x256xf32, #tpu.memory_space<vmem>>, vector<1x192x256xf32>,
    %get3A_113 = arith.constant 0 : index
    %get3A_114 = arith.constant 0 : index
    %get3A_115 = arith.constant 0 : index
    %get3A_116 = vector.load %arg8[%get3A_113, %get3A_114, %get3A_115] : memref<1x192x256xf32, #tpu.memory_space<vmem>>, vector<1x192x256xf32>
    %squeeze3A_117 = vector.shape_cast %get3A_116 : vector<1x192x256xf32> to vector<192x256xf32>
    %max3A_118 = arith.constant 0.000000e+00 : f32
    %max3A_119 = vector.broadcast %max3A_118 : f32 to vector<192x256xf32>
    %max3A_120 = arith.maximumf %squeeze3A_117, %max3A_119 : vector<192x256xf32>
    %squeeze3A_121 = vector.shape_cast %get3A_116 : vector<1x192x256xf32> to vector<192x256xf32>
    %min3A_122 = arith.constant 0.000000e+00 : f32
    %min3A_123 = vector.broadcast %min3A_122 : f32 to vector<192x256xf32>
    %min3A_124 = arith.minimumf %squeeze3A_121, %min3A_123 : vector<192x256xf32>
    %exp3A_125 = math.exp %min3A_124 : vector<192x256xf32>
    %add3A_126 = arith.addf %max3A_120, %exp3A_125 : vector<192x256xf32>
    %swap3A_127 = arith.constant 6 : index
    %swap3A_128 = arith.constant 0 : index
    %swap3A_129 = arith.constant 0 : index
    %swap3A_130 = vector.load %arg10[%swap3A_127, %swap3A_128, %swap3A_129] : memref<8x192x256xf32, #tpu.memory_space<vmem>>, vector<1x192x256xf32>
    %swap3A_131 = vector.shape_cast %swap3A_130 : vector<1x192x256xf32> to vector<192x256xf32>
    %swap3A_132 = vector.shape_cast %add3A_126 : vector<192x256xf32> to vector<1x192x256xf32>
    tpu.vector_store %arg10[%swap3A_127, %swap3A_128, %swap3A_129], %swap3A_132 {strides = array<i32>} : memref<8x192x256xf32, #tpu.memory_space<vmem>>, vector<1x192x256xf32>,
    %get3A_133 = arith.constant 0 : index
    %get3A_134 = arith.constant 0 : index
    %get3A_135 = arith.constant 0 : index
    %get3A_136 = vector.load %arg9[%get3A_133, %get3A_134, %get3A_135] : memref<1x192x256xf32, #tpu.memory_space<vmem>>, vector<1x192x256xf32>
    %squeeze3A_137 = vector.shape_cast %get3A_136 : vector<1x192x256xf32> to vector<192x256xf32>
    %max3A_138 = arith.constant 0.000000e+00 : f32
    %max3A_139 = vector.broadcast %max3A_138 : f32 to vector<192x256xf32>
    %max3A_140 = arith.maximumf %squeeze3A_137, %max3A_139 : vector<192x256xf32>
    %squeeze3A_141 = vector.shape_cast %get3A_136 : vector<1x192x256xf32> to vector<192x256xf32>
    %min3A_142 = arith.constant 0.000000e+00 : f32
    %min3A_143 = vector.broadcast %min3A_142 : f32 to vector<192x256xf32>
    %min3A_144 = arith.minimumf %squeeze3A_141, %min3A_143 : vector<192x256xf32>
    %exp3A_145 = math.exp %min3A_144 : vector<192x256xf32>
    %add3A_146 = arith.addf %max3A_140, %exp3A_145 : vector<192x256xf32>
    %swap3A_147 = arith.constant 7 : index
    %swap3A_148 = arith.constant 0 : index
    %swap3A_149 = arith.constant 0 : index
    %swap3A_150 = vector.load %arg10[%swap3A_147, %swap3A_148, %swap3A_149] : memref<8x192x256xf32, #tpu.memory_space<vmem>>, vector<1x192x256xf32>
    %swap3A_151 = vector.shape_cast %swap3A_150 : vector<1x192x256xf32> to vector<192x256xf32>
    %swap3A_152 = vector.shape_cast %add3A_146 : vector<192x256xf32> to vector<1x192x256xf32>
    tpu.vector_store %arg10[%swap3A_147, %swap3A_148, %swap3A_149], %swap3A_152 {strides = array<i32>} : memref<8x192x256xf32, #tpu.memory_space<vmem>>, vector<1x192x256xf32>,
    return
  }
  func.func @transform_0(%arg0: i32, %arg1: memref<48xi32, #tpu.memory_space<smem>>) -> (i32, i32, i32) {
    %mul3A = arith.constant 8 : i32
    %mul3A_0 = arith.muli %arg0, %mul3A : i32
    %add3A = arith.constant 0 : i32
    %add3A_1 = arith.addi %mul3A_0, %add3A : i32
    %get3A = arith.index_cast %add3A_1 : i32 to index
    %get3A_2 = memref.load %arg1[%get3A] : memref<48xi32, #tpu.memory_space<smem>>
    %c0_i32 = arith.constant 0 : i32
    %c0_i32_3 = arith.constant 0 : i32
    %c0_i32_4 = arith.constant 0 : i32
    return %get3A_2, %c0_i32, %c0_i32_3 : i32, i32, i32
  }
  func.func @transform_1(%arg0: i32, %arg1: memref<48xi32, #tpu.memory_space<smem>>) -> (i32, i32, i32) {
    %mul3A = arith.constant 8 : i32
    %mul3A_0 = arith.muli %arg0, %mul3A : i32
    %add3A = arith.constant 1 : i32
    %add3A_1 = arith.addi %mul3A_0, %add3A : i32
    %get3A = arith.index_cast %add3A_1 : i32 to index
    %get3A_2 = memref.load %arg1[%get3A] : memref<48xi32, #tpu.memory_space<smem>>
    %c0_i32 = arith.constant 0 : i32
    %c0_i32_3 = arith.constant 0 : i32
    %c0_i32_4 = arith.constant 0 : i32
    return %get3A_2, %c0_i32, %c0_i32_3 : i32, i32, i32
  }
  func.func @transform_2(%arg0: i32, %arg1: memref<48xi32, #tpu.memory_space<smem>>) -> (i32, i32, i32) {
    %mul3A = arith.constant 8 : i32
    %mul3A_0 = arith.muli %arg0, %mul3A : i32
    %add3A = arith.constant 2 : i32
    %add3A_1 = arith.addi %mul3A_0, %add3A : i32
    %get3A = arith.index_cast %add3A_1 : i32 to index
    %get3A_2 = memref.load %arg1[%get3A] : memref<48xi32, #tpu.memory_space<smem>>
    %c0_i32 = arith.constant 0 : i32
    %c0_i32_3 = arith.constant 0 : i32
    %c0_i32_4 = arith.constant 0 : i32
    return %get3A_2, %c0_i32, %c0_i32_3 : i32, i32, i32
  }
  func.func @transform_3(%arg0: i32, %arg1: memref<48xi32, #tpu.memory_space<smem>>) -> (i32, i32, i32) {
    %mul3A = arith.constant 8 : i32
    %mul3A_0 = arith.muli %arg0, %mul3A : i32
    %add3A = arith.constant 3 : i32
    %add3A_1 = arith.addi %mul3A_0, %add3A : i32
    %get3A = arith.index_cast %add3A_1 : i32 to index
    %get3A_2 = memref.load %arg1[%get3A] : memref<48xi32, #tpu.memory_space<smem>>
    %c0_i32 = arith.constant 0 : i32
    %c0_i32_3 = arith.constant 0 : i32
    %c0_i32_4 = arith.constant 0 : i32
    return %get3A_2, %c0_i32, %c0_i32_3 : i32, i32, i32
  }
  func.func @transform_4(%arg0: i32, %arg1: memref<48xi32, #tpu.memory_space<smem>>) -> (i32, i32, i32) {
    %mul3A = arith.constant 8 : i32
    %mul3A_0 = arith.muli %arg0, %mul3A : i32
    %add3A = arith.constant 4 : i32
    %add3A_1 = arith.addi %mul3A_0, %add3A : i32
    %get3A = arith.index_cast %add3A_1 : i32 to index
    %get3A_2 = memref.load %arg1[%get3A] : memref<48xi32, #tpu.memory_space<smem>>
    %c0_i32 = arith.constant 0 : i32
    %c0_i32_3 = arith.constant 0 : i32
    %c0_i32_4 = arith.constant 0 : i32
    return %get3A_2, %c0_i32, %c0_i32_3 : i32, i32, i32
  }
  func.func @transform_5(%arg0: i32, %arg1: memref<48xi32, #tpu.memory_space<smem>>) -> (i32, i32, i32) {
    %mul3A = arith.constant 8 : i32
    %mul3A_0 = arith.muli %arg0, %mul3A : i32
    %add3A = arith.constant 5 : i32
    %add3A_1 = arith.addi %mul3A_0, %add3A : i32
    %get3A = arith.index_cast %add3A_1 : i32 to index
    %get3A_2 = memref.load %arg1[%get3A] : memref<48xi32, #tpu.memory_space<smem>>
    %c0_i32 = arith.constant 0 : i32
    %c0_i32_3 = arith.constant 0 : i32
    %c0_i32_4 = arith.constant 0 : i32
    return %get3A_2, %c0_i32, %c0_i32_3 : i32, i32, i32
  }
  func.func @transform_6(%arg0: i32, %arg1: memref<48xi32, #tpu.memory_space<smem>>) -> (i32, i32, i32) {
    %mul3A = arith.constant 8 : i32
    %mul3A_0 = arith.muli %arg0, %mul3A : i32
    %add3A = arith.constant 6 : i32
    %add3A_1 = arith.addi %mul3A_0, %add3A : i32
    %get3A = arith.index_cast %add3A_1 : i32 to index
    %get3A_2 = memref.load %arg1[%get3A] : memref<48xi32, #tpu.memory_space<smem>>
    %c0_i32 = arith.constant 0 : i32
    %c0_i32_3 = arith.constant 0 : i32
    %c0_i32_4 = arith.constant 0 : i32
    return %get3A_2, %c0_i32, %c0_i32_3 : i32, i32, i32
  }
  func.func @transform_7(%arg0: i32, %arg1: memref<48xi32, #tpu.memory_space<smem>>) -> (i32, i32, i32) {
    %mul3A = arith.constant 8 : i32
    %mul3A_0 = arith.muli %arg0, %mul3A : i32
    %add3A = arith.constant 7 : i32
    %add3A_1 = arith.addi %mul3A_0, %add3A : i32
    %get3A = arith.index_cast %add3A_1 : i32 to index
    %get3A_2 = memref.load %arg1[%get3A] : memref<48xi32, #tpu.memory_space<smem>>
    %c0_i32 = arith.constant 0 : i32
    %c0_i32_3 = arith.constant 0 : i32
    %c0_i32_4 = arith.constant 0 : i32
    return %get3A_2, %c0_i32, %c0_i32_3 : i32, i32, i32
  }
  func.func @transform_8(%arg0: i32, %arg1: memref<48xi32, #tpu.memory_space<smem>>) -> (i32, i32, i32) {
    %c0_i32 = arith.constant 0 : i32
    %c0_i32_0 = arith.constant 0 : i32
    %c0_i32_1 = arith.constant 0 : i32
    return %arg0, %c0_i32, %c0_i32_0 : i32, i32, i32
  }
}

</mosaic_0001>

<sc_bundles>
// kernel: kernel.4.cloned.1.call-start
scs
__scs_entry_jumppad:
0x0: {  	(pc) =	sbr.rel $0x88, $3  }
0x1: {  	(tag) =	ssettag $0x0;
	lr =	simm.s32 $0x1  }
0x2: {  	[smem:$0x3F9F] =	sst lr;
	_ =	strace $0xD0000000  }
0x3: {  	_ = 	snop  }
0x4: {  	_ = 	snop  }
0x5: {  	_ = 	snop  }
0x6: {  	_ = 	snop  }
0x7: {  	_ = 	snop  }
__scs_overlays_trampoline_lowered:
0x8: {  	[smem:$0x3FAE] =	sst s0  }
0x9: {  	[smem:$0x3FAF] =	sst s1  }
0xa: {  	[smem:$0x3FB0] =	sst s2  }
0xb: {  	[smem:$0x3FB1] =	sst s3  }
0xc: {  	[smem:$0x3FB2] =	sst s4  }
0xd: {  	[smem:$0x3FB3] =	sst s5  }
0xe: {  	[smem:$0x3FB4] =	sst s6  }
0xf: {  	[smem:$0x3FB5] =	sst s7  }
0x10: {  	[smem:$0x3FB6] =	sst s8  }
0x11: {  	[smem:$0x3FB7] =	sst s9;
	s0 =	simm.s32 @!p0 $0x0  }
0x12: {  	s1 =	sld [smem:$0x3F9D];
	s0 =	simm.s32 @p0 $0x1  }
0x13: {  	[smem:$0x3FB8] =	sst s0;
	s0 =	simm.s32 @!p1 $0x0  }
0x14: {  	s2 =	sld [smem:$0x3F9C];
	s0 =	simm.s32 @p1 $0x1  }
0x15: {  	[smem:$0x3FB9] =	sst s0;
	s0 =	simm.s32 @!p2 $0x0  }
0x16: {  	s3 =	sld [smem:$0x3FDB];
	s0 =	simm.s32 @p2 $0x1  }
0x17: {  	s4 =	simm.s32 $0x1BF5;
	[smem:$0x3FBB] =	sst s0  }
0x18: {  	s0 =	sld [smem:$0x3F9E];
	_ =	swait.ge [sflag:s4], $0x0  }
0x19: {  	s7 =	sld [smem:$0x3F9F]  }
0x1a: {  	s8 =	sadd.s32 $0xFFFFE003, lr  }
0x1b: {  	s9 =	sadd.s32 $0xFFFFFEF7, lr;
	s5 =	simm.s32 $0xFFFFFFFF;
	p2 =	slt.u32 s8, $0xFFFFF086  }
0x1c: {  	p1 =	slt.u32 s9, $0xF7A;
	s5 =	simm.s32 @!p2 $0x0  }
0x1d: {  	s5 =	simm.s32 @p1 $0x1;
	p0 =	seq.s32 s7, s2  }
0x1e: {  	s7 =	smul.u32 @!p0 $0xF7A, s2;
	p2 =	seq.s32 @!p0 s5, $0x0  }
0x1f: {  	s9 =	smul.u32 $0xF7A, s1;
	s8 =	simm.s32 @!p0 $0x1BF5;
	p2 =	por !p2, p0  }
0x20: {  	[sflag:s8] =	ssyncset.s32 @!p0 $0xFFFFF086;
	s6 =	sadd.s32 @!p0 s3, s7;
	s7 =	simm.s32 @!p0 $0x108  }
0x21: {  	s3 =	sadd.s32 s3, s9;
	s6 =	sadd.s32 @!p0 $0x88, s6;
	s7 =	simm.s32 @p2 $0x1082  }
0x22: {  	[simem:s7], [sflag:s8] =	dma.local @!p0 [hbm:s6], $0xF7A  }
0x23: {  	s9 =	sor.u32 $0xD0000000, s2;
	s6 =	simm.s32 $0x108;
	_ =	swait.ge @!p0 [sflag:s8], $0x0  }
0x24: {  	s3 =	sadd.s32 $0x88, s3;
	s6 =	simm.s32 @!p1 $0x1082;
	[sflag:s4] =	ssyncset.s32 $0xFFFFF086  }
0x25: {  	[simem:s6], [sflag:s4] =	dma.local [hbm:s3], $0xF7A  }
0x26: {  	[smem:$0x3F9F] =	sst s1;
	(tag) =	ssettag s2;
	_ =	strace s9  }
0x27: {  	s1 =	sld [smem:$0x3FAF]  }
0x28: {  	s2 =	sld [smem:$0x3FB0]  }
0x29: {  	s4 =	sld [smem:$0x3FB2]  }
0x2a: {  	p0 =	seq.s32 s5, $0x0;
	s5 =	sld [smem:$0x3FB3]  }
0x2b: {  	s6 =	sld [smem:$0x3FB4]  }
0x2c: {  	s7 =	sld [smem:$0x3FB5]  }
0x2d: {  	s3 =	simm.s32 $0x108;
	s8 =	sld [smem:$0x3FB6]  }
0x2e: {  	s3 =	simm.s32 @!p0 $0x1082;
	s9 =	sld [smem:$0x3FB7]  }
0x2f: {  	lr =	sadd.s32 s0, s3;
	s0 =	sld [smem:$0x3FAE]  }
0x30: {  	s3 =	sld [smem:$0x3FB1]  }
0x31: {  	[smem:$0x3FBA] =	sst s10  }
0x32: {  	s10 =	sld [smem:$0x3FB8];
	_ =	sdelay $0x3  }
0x33: {  	p0 =	seq.s32 s10, $0x1;
	s10 =	sld [smem:$0x3FBA];
	_ =	sdelay $0x3  }
0x34: {  	[smem:$0x3FBA] =	sst s10  }
0x35: {  	s10 =	sld [smem:$0x3FB9];
	_ =	sdelay $0x3  }
0x36: {  	p1 =	seq.s32 s10, $0x1;
	s10 =	sld [smem:$0x3FBA];
	_ =	sdelay $0x3  }
0x37: {  	[smem:$0x3FBA] =	sst s10  }
0x38: {  	s10 =	sld [smem:$0x3FBB]  }
0x39: {  	_ = 	snop;
	(pc) =	sbr.ind lr, $3  }
0x3a: {  	_ = 	snop  }
0x3b: {  	_ = 	snop  }
0x3c: {  	p2 =	seq.s32 s10, $0x1;
	s10 =	sld [smem:$0x3FBA]  }
0x3d: {  	_ =	shalt  }
0x3e: {  	_ =	shalt  }
0x3f: {  	_ =	shalt  }
0x40: {  	_ =	shalt  }
0x41: {  	_ =	shalt  }
0x42: {  	_ =	shalt  }
0x43: {  	_ =	shalt  }
0x44: {  	_ =	shalt  }
0x45: {  	_ =	shalt  }
0x46: {  	_ =	shalt  }
0x47: {  	_ =	shalt  }
0x48: {  	_ =	shalt  }
0x49: {  	_ =	shalt  }
0x4a: {  	_ =	shalt  }
0x4b: {  	_ =	shalt  }
0x4c: {  	_ =	shalt  }
0x4d: {  	_ =	shalt  }
0x4e: {  	_ =	shalt  }
0x4f: {  	_ =	shalt  }
0x50: {  	_ =	shalt  }
0x51: {  	_ =	shalt  }
0x52: {  	_ =	shalt  }
0x53: {  	_ =	shalt  }
0x54: {  	_ =	shalt  }
0x55: {  	_ =	shalt  }
0x56: {  	_ =	shalt  }
0x57: {  	_ =	shalt  }
0x58: {  	_ =	shalt  }
0x59: {  	_ =	shalt  }
0x5a: {  	_ =	shalt  }
0x5b: {  	_ =	shalt  }
0x5c: {  	_ =	shalt  }
0x5d: {  	_ =	shalt  }
0x5e: {  	_ =	shalt  }
0x5f: {  	_ =	shalt  }
0x60: {  	_ =	shalt  }
0x61: {  	_ =	shalt  }
0x62: {  	_ =	shalt  }
0x63: {  	_ =	shalt  }
0x64: {  	_ =	shalt  }
0x65: {  	_ =	shalt  }
0x66: {  	_ =	shalt  }
0x67: {  	_ =	shalt  }
0x68: {  	_ =	shalt  }
0x69: {  	_ =	shalt  }
0x6a: {  	_ =	shalt  }
0x6b: {  	_ =	shalt  }
0x6c: {  	_ =	shalt  }
0x6d: {  	_ =	shalt  }
0x6e: {  	_ =	shalt  }
0x6f: {  	_ =	shalt  }
0x70: {  	_ =	shalt  }
0x71: {  	_ =	shalt  }
0x72: {  	_ =	shalt  }
0x73: {  	_ =	shalt  }
0x74: {  	_ =	shalt  }
0x75: {  	_ =	shalt  }
0x76: {  	_ =	shalt  }
0x77: {  	_ =	shalt  }
0x78: {  	_ =	shalt  }
0x79: {  	_ =	shalt  }
0x7a: {  	_ =	shalt  }
0x7b: {  	_ =	shalt  }
0x7c: {  	_ =	shalt  }
0x7d: {  	_ =	shalt  }
0x7e: {  	_ =	shalt  }
0x7f: {  	_ =	shalt  }
0x80: {  	_ =	shalt  }
0x81: {  	_ =	shalt  }
0x82: {  	_ =	shalt  }
0x83: {  	_ =	shalt  }
0x84: {  	_ =	shalt  }
0x85: {  	_ =	shalt  }
0x86: {  	_ =	shalt  }
0x87: {  	_ =	shalt  }
.Lfunc_end0:
.L_simem_size_0:
called_computation_lowered:
.L_overlay_start_0:
0x88: {  	s2 =	sld [smem:$0x3FD9]  }
0x89: {  	s3 =	sld [smem:$0x3FFE];
	_ =	sdelay $0x1  }
0x8a: {  	s1 =	srdreg.scid  }
0x8b: {  	s0 =	sand.u32 $0x1, s1  }
0x8c: {  	s17 =	sshll.u32 s0, $0xA;
	s2 =	sadd.s32 s3, s2  }
0x8d: {  	s2 =	sadd.s32 s2, s17  }
0x8e: {  	[smem:$0x3FC6] =	sst s2  }
0x8f: {  	_ = 	snop  }
0x90: {  	s2 =	sld [smem:$0x3FC8]  }
0x91: {  	s18 =	sld [smem:$0x3FD0];
	(tm) =	ssettm $0x1  }
0x92: {  	s4 =	sld [smem:$0x3FFB];
	_ =	sdelay $0x3  }
0x93: {  	_ =	strace s4  }
0x94: {  	s4 =	sld [smem:$0x3FFC];
	_ =	sdelay $0x3  }
0x95: {  	_ =	strace s4  }
0x96: {  	s4 =	sld [smem:$0x3FFD];
	_ =	sdelay $0x3  }
0x97: {  	_ =	strace s4  }
0x98: {  	_ =	strace $0x8FFFFFFF  }
0x99: {  	s19 =	sld [smem:$0x3FDB];
	_ =	sdelay $0x1  }
0x9a: {  	s5 =	simm.s32 $_scs_section_size  }
0x9b: {  	s6 =	simm.s32 $_size__tile_overlayer_lowered;
	s7 =	simm.s32 $_tile_overlayer_lowered  }
0x9c: {  	s22 =	simm.s32 $0x1BFF;
	s21 =	sshll.u32 s7, $0x1;
	s4 =	sadd.s32 s5, s19  }
0x9d: {  	s8 =	simm.s32 $0x0;
	s20 =	sshll.u32 s6, $0x1;
	s6 =	sadd.s32 s21, s4  }
0x9e: {  	[timem:s8], [sflag:s22] =	dma.local [hbm:s6], s20  }
0x9f: {  	_ =	swait.ge [sflag:s22], s20  }
0xa0: {  	s5 =	ssub.s32 $0x0, s20;
	[sflag:s22] =	ssyncset.done $0x0  }
0xa1: {  	[sflag:s22] =	ssyncadd.s32 s5;
	_ =	sdelay $0x1  }
0xa2: {  	s23 =	simm.s32 $0x1B8B  }
0xa3: {  	_ =	swait.ge [sflag:s23], $0x1  }
0xa4: {  	[sflag:s23] =	ssyncset.done $0x0  }
0xa5: {  	s25 =	simm.s32 $0x1B8E;
	s24 =	sld [smem:$0x3FFE];
	[sflag:s23] =	ssyncadd.s32 $0xFFFFFFFF  }
0xa6: {  	s26 =	simm.s32 $execute0_lowered;
	[smem:$0x3FD2] =	sst s25  }
0xa7: {  	s6 =	sshll.u32 s26, $0x1;
	_ =	strace $0x80000046;
	[dreg:$0x1] =	wrdreg $0xFFFFFFFF  }
0xa8: {  	s28 =	simm.s32 $_size_execute0_lowered;
	s4 =	sadd.s32 s4, s6;
	[dreg:$0x0] =	wrdreg $0x0  }
0xa9: {  	s6 =	sshll.u32 s28, $0x1;
	[dreg:$0x2] =	wrdreg s4  }
0xaa: {  	[dreg:$0x3] =	wrdreg s6  }
0xab: {  	[dreg:$0x4] =	wrdreg $0xC0  }
0xac: {  	_ =	task [dreg:s8], $0x5FFFF  }
0xad: {  	[dreg:$0x1] =	wrdreg $0xFFFFFFFF  }
0xae: {  	[dreg:$0x0] =	wrdreg $0x60  }
0xaf: {  	[dreg:$0x2] =	wrdreg s18  }
0xb0: {  	[dreg:$0x3] =	wrdreg s2  }
0xb1: {  	[dreg:$0x4] =	wrdreg s24  }
0xb2: {  	[dreg:$0x5] =	wrdreg $0x9  }
0xb3: {  	_ =	task.clear_ibuf [dreg:s8], $0x6FFFF;
	_ =	strace $0x90000046  }
0xb4: {  	s29 =	simm.s32 $0x9;
	_ =	strace $0x80000048  }
0xb5: {  	_ =	swait.ge [sflag:s29], $0x1  }
0xb6: {  	[sflag:s29] =	ssyncadd.s32 $0xFFFFFFFF  }
0xb7: {  	_ =	strace $0x90000048  }
0xb8: {  	_ =	sfence  }
0xb9: {  	s30 =	sld [smem:$0x0];
	_ =	sdelay $0x2  }
0xba: {  	s31 =	sshll.u32 s1, $0xD;
	s1 =	sshrl.u32 s1, $0x2  }
0xbb: {  	s3 =	sand.u32 $0x4000, s31;
	s1 =	sadd.s32 s1, s30  }
0xbc: {  	s0 =	sor.u32 s3, s0;
	s1 =	sshll.u32 s1, $0x11  }
0xbd: {  	s0 =	sor.u32 s1, s0  }
0xbe: {  	s0 =	sadd.s32 $0x8F2B, s0  }
0xbf: {  	[sflag:s0] =	ssyncadd.remote.s32 $0x1  }
0xc0: {  	_ =	sfence.sel $0xFFFF  }
0xc1: {  	[dreg:$0x0] =	wrdreg $0xFFFFFFFF;
	(pc) =	sbr.abs _section_cstart, $3  }
0xc2: {  	[dreg:$0x1] =	wrdreg $0xFFFFFFFF  }
0xc3: {  	_ =	task.clear_ibuf [dreg:s8], $0x2FFFF;
	_ =	strace $0x9FFFFFFF  }
0xc4: {  	(tm) =	ssettm $0x7FFFFFFF  }
0xc5: {  	_ =	shalt  }
tec
execute0_lowered:
.L_overlay_start_1:
0x0: {  	(tag) =	ssettag $0x1  }
0x1: {  	s1 =	stileid.u32  }
0x2: {  	p0 =	sgt.u32 s1, $0x7  }
.Ltmp0:
0x3: {  	s5 =	rddreg [dreg:$0x0];
	(pc) =	sbr.rel @p0 .LBB2_5-.Ltmp0, $4  }
0x4: {  	s2 =	rddreg [dreg:$0x1]  }
0x5: {  	s4 =	rddreg [dreg:$0x2];
	s3 =	simm.s32 $0x0  }
0x6: {  	[smem:$0x7FF] =	sst s3  }
0x7: {  	s0 =	rddreg [dreg:$0x3];
	_ =	strace $0x80000047  }
0x8: {  	s6 =	srdreg.scid  }
0x9: {  	s7 =	sshll.u32 s1, $0x1;
	s6 =	sand.u32 $0x1, s6  }
0xa: {  	s7 =	sor.u32 s6, s7;
	s6 =	ssub.s32 $0x2, s6  }
0xb: {  	s9 =	simm.s32 $0x1;
	s8 =	smul.u32 $0x1800, s7;
	s31 =	sshrl.u32 s6, $0x1  }
0xc: {  	s10 =	simm.s32 $0x0;
	s7 =	sshll.u32 s7, $0x4;
	s6 =	ssub.s32 s6, s31  }
0xd: {  	s5 =	sadd.s32 s5, s7;
	s7 =	simm.s32 $0x2;
	s4 =	sadd.s32 s8, s4  }
0xe: {  	vm0 =	vmmov $0x1;
	v0 =	vlaneseq.u32;
	s6 =	smax.u32 s6, $0x1;
	s8 =	simm.s32 $0x80;
	s4 =	sadd.s32 $0x600, s4  }
.LBB2_2:
0xf: {  	s11 =	simm.s32 $0x0  }
0x10: {  	[tilespmem:s11], [sflag:$0x2] =	stream.linear.gather [hbm4b:s5+s11], $0x80, $0x38;
	[tilespmem:$0xC080] =	vst v63  }
0x11: {  	_ =	swait.ge [sflag:s7], $0x80  }
0x12: {  	[sflag:s7] =	ssyncset.done $0x0  }
0x13: {  	[sflag:s7] =	ssyncadd.s32 $0xFFFFFF80  }
0x14: {  	v1 =	vld.msk [tilespmem:$0x0], $0x1;
	_ =	sdelay $0x4  }
0x15: {  	v1 =	vmul.u32 $0xC000, v1;
	_ =	sdelay $0x1  }
0x16: {  	v1 =	vperm.xlane v1, v0;
	_ =	sdelay $0x5  }
0x17: {  	[tilespmem:s8], [sflag:$0x1] =	stream.indirect_vreg.gather [hbm4b:s2+s11], $0xC000, v1, vm0, $0x38;
	[tilespmem:$0xC080] =	vst v63  }
0x18: {  	_ =	swait.ge [sflag:s9], $0xC000  }
0x19: {  	s12 =	sand.u32 $0xF800, s11;
	s11 =	sand.u32 $0x300, s11;
	[sflag:s9] =	ssyncset.done $0x0  }
0x1a: {  	s11 =	sor.u32 s11, s12;
	[sflag:s9] =	ssyncadd.s32 $0xFFFF4000  }
0x1b: {  	v16 =	vld [tilespmem:s11+$0x570]  }
0x1c: {  	v3 =	vld [tilespmem:s11+$0x550]  }
0x1d: {  	v11 =	vld [tilespmem:s11+$0x510]  }
0x1e: {  	v4 =	vld [tilespmem:s11+$0x560]  }
0x1f: {  	v8 =	vld [tilespmem:s11+$0x540]  }
0x20: {  	v19 =	vld [tilespmem:s11+$0x500]  }
0x21: {  	v7 =	vld [tilespmem:s11+$0x520]  }
0x22: {  	v12 =	vld [tilespmem:s11+$0x130]  }
0x23: {  	v10 =	vld [tilespmem:s11+$0x120]  }
0x24: {  	v15 =	vld [tilespmem:s11+$0x110]  }
0x25: {  	v24 =	vld [tilespmem:s11+$0x4C0]  }
0x26: {  	v29 =	vld [tilespmem:s11+$0xE0]  }
0x27: {  	v17 =	vld [tilespmem:s11+$0x4A0];
	v1 =	vmin.f32 v16, $0.0e+00  }
0x28: {  	v2 =	vmin.f32 v4, $0.0e+00;
	v6 =	vmin.f32 v3, $0.0e+00;
	v9 =	vmin.f32 v8, $0.0e+00  }
0x29: {  	v21 =	vmax.f32 v3, $0.0e+00;
	v26 =	vmin.f32 v19, $0.0e+00;
	v28 =	vmin.f32 v11, $0.0e+00  }
0x2a: {  	v14 =	vld [tilespmem:s11+$0x170];
	v30 =	vmin.f32 v10, $0.0e+00;
	v4 =	vmax.f32 v4, $0.0e+00;
	v32 =	vmin.f32 v15, $0.0e+00  }
0x2b: {  	v20 =	vld [tilespmem:s11+$0x160];
	v34 =	vmax.f32 v7, $0.0e+00;
	v36 =	vmin.f32 v24, $0.0e+00;
	v37 =	vmin.f32 v29, $0.0e+00  }
0x2c: {  	v18 =	vld [tilespmem:s11+$0x530];
	v38 =	vmax.f32 v12, $0.0e+00;
	v40 =	vmin.f32 v17, $0.0e+00;
	v1 =	vmul.f32 $1.442695020e+00, v1  }
0x2d: {  	v47 =	vmax.f32 v11, $0.0e+00;
	v5 =	vmul.f32 $1.442695020e+00, v2;
	v9 =	vmul.f32 $1.442695020e+00, v9  }
0x2e: {  	v61 =	vmax.f32 v15, $0.0e+00;
	v28 =	vmul.f32 $1.442695020e+00, v28;
	(erf) = vpow2.f32 v1  }
0x2f: {  	v62 =	vmax.f32 v14, $0.0e+00;
	v2 =	vld [tilespmem:s11+$0x150];
	v32 =	vmul.f32 $1.442695020e+00, v32;
	v30 =	vmul.f32 $1.442695020e+00, v30  }
0x30: {  	v50 =	vmax.f32 v20, $0.0e+00;
	v26 =	vmul.f32 $1.442695020e+00, v26;
	v36 =	vmul.f32 $1.442695020e+00, v36  }
0x31: {  	(erf) = vpow2.f32 v5;
	v5 =	vmul.f32 $1.442695020e+00, v6;
	v6 =	vmin.f32 v18, $0.0e+00  }
0x32: {  	v11 =	vld [tilespmem:s11+$0x4D0];
	v54 =	vmax.f32 v19, $0.0e+00;
	v52 =	vmul.f32 $1.442695020e+00, v40;
	v13 =	vmul.f32 $1.442695020e+00, v6  }
0x33: {  	v1 =	vld [tilespmem:s11+$0x140];
	v6 =	vmin.f32 v20, $0.0e+00;
	(erf) = vpow2.f32 v5;
	v5 =	vmin.f32 v7, $0.0e+00  }
0x34: {  	v25 =	vmul.f32 $1.442695020e+00, v6;
	v6 =	vld [tilespmem:s11+$0x90];
	v3 =	vmul.f32 $1.442695020e+00, v5;
	v5 =	vmin.f32 v2, $0.0e+00  }
0x35: {  	v22 =	vld [tilespmem:s11+$0x480];
	v55 =	vmul.f32 $1.442695020e+00, v37;
	v23 =	vmul.f32 $1.442695020e+00, v5;
	v5 =	vmin.f32 v12, $0.0e+00  }
0x36: {  	v18 =	vmax.f32 v18, $0.0e+00;
	v7 =	vld [tilespmem:s11+$0x80];
	(erf) = vpow2.f32 v9;
	v27 =	vmul.f32 $1.442695020e+00, v5  }
0x37: {  	v58 =	vmin.f32 v11, $0.0e+00;
	v9 =	vmin.f32 v14, $0.0e+00;
	v31 =	vpop (erf);
	(erf) = vpow2.f32 v3  }
0x38: {  	v33 =	vmul.f32 $1.442695020e+00, v9;
	v42 =	vmin.f32 v1, $0.0e+00;
	v5 =	vld [tilespmem:s11+$0x4F0];
	(erf) = vpow2.f32 v27  }
0x39: {  	v15 =	vmul.f32 $1.442695020e+00, v42;
	v39 =	vmin.f32 v6, $0.0e+00;
	v27 =	vld [tilespmem:s11+$0x4B0];
	(erf) = vpow2.f32 v13  }
0x3a: {  	v3 =	vld [tilespmem:s11+$0xF0];
	v63 =	vmul.f32 $1.442695020e+00, v39;
	v13 =	vmin.f32 v22, $0.0e+00;
	(erf) = vpow2.f32 v28  }
0x3b: {  	v43 =	vmin.f32 v7, $0.0e+00;
	v9 =	vpop (erf);
	v28 =	vld [tilespmem:s11+$0xA0];
	v13 =	vmul.f32 $1.442695020e+00, v13;
	(erf) = vpow2.f32 v32  }
0x3c: {  	v35 =	vadd.f32 v9, v4;
	v9 =	vmax.f32 v10, $0.0e+00;
	v32 =	vld [tilespmem:s11+$0x490];
	(erf) = vpow2.f32 v33  }
0x3d: {  	v4 =	vld [tilespmem:s11+$0xB0];
	v10 =	vmax.f32 v8, $0.0e+00;
	v45 =	vmin.f32 v5, $0.0e+00;
	v48 =	vpop (erf);
	(erf) = vpow2.f32 v13  }
0x3e: {  	v20 =	vadd.f32 v48, v21;
	v12 =	vmin.f32 v27, $0.0e+00;
	v13 =	vld [tilespmem:s11+$0x100];
	(erf) = vpow2.f32 v36  }
0x3f: {  	v22 =	vmax.f32 v22, $0.0e+00;
	v56 =	vmul.f32 $1.442695020e+00, v45;
	v14 =	vpop (erf);
	v41 =	vmul.f32 $1.442695020e+00, v12;
	v12 =	vld [tilespmem:s11+$0xD0]  }
0x40: {  	v8 =	vmin.f32 v3, $0.0e+00;
	[tilespmem:s11+$0x550] =	vst v20;
	v20 =	vmax.f32 v24, $0.0e+00;
	v27 =	vmax.f32 v27, $0.0e+00;
	v53 =	vpop (erf)  }
0x41: {  	v46 =	vmin.f32 v28, $0.0e+00;
	(erf) = vpow2.f32 v25;
	v60 =	vmin.f32 v32, $0.0e+00;
	v21 =	vpop (erf)  }
0x42: {  	v44 =	vmin.f32 v4, $0.0e+00;
	v46 =	vmul.f32 $1.442695020e+00, v46;
	v25 =	vmul.f32 $1.442695020e+00, v60;
	v19 =	vpop (erf)  }
0x43: {  	v21 =	vadd.f32 v21, v38;
	(erf) = vpow2.f32 v26;
	v59 =	vmin.f32 v13, $0.0e+00;
	v26 =	vpop (erf)  }
0x44: {  	v49 =	vmin.f32 v12, $0.0e+00;
	v57 =	vadd.f32 v19, v18;
	v18 =	vpop (erf);
	(erf) = vpow2.f32 v41  }
0x45: {  	[tilespmem:s11+$0x560] =	vst v35;
	v19 =	vmul.f32 $1.442695020e+00, v44;
	v35 =	vadd.f32 v18, v61;
	v18 =	vpop (erf);
	(erf) = vpow2.f32 v46  }
0x46: {  	v61 =	vmax.f32 v16, $0.0e+00;
	v60 =	vadd.f32 v18, v62;
	v16 =	vpop (erf);
	v18 =	vld [tilespmem:s11+$0xC0];
	(erf) = vpow2.f32 v52  }
0x47: {  	v44 =	vmul.f32 $1.442695020e+00, v58;
	v22 =	vadd.f32 v16, v22;
	v16 =	vpop (erf);
	(erf) = vpow2.f32 v25  }
0x48: {  	v24 =	vadd.f32 v26, v47;
	[tilespmem:s11+$0x130] =	vst v21;
	v62 =	vmul.f32 $1.442695020e+00, v49;
	(erf) = vpow2.f32 v30  }
0x49: {  	[tilespmem:s11+$0x530] =	vst v57;
	v25 =	vmul.f32 $1.442695020e+00, v43;
	v26 =	vadd.f32 v16, v20;
	(erf) = vpow2.f32 v63  }
0x4a: {  	[tilespmem:s11+$0x510] =	vst v24;
	v20 =	vmul.f32 $1.442695020e+00, v59;
	v16 =	vld [tilespmem:s11+$0x4E0];
	v30 =	vadd.f32 v31, v61;
	v31 =	vpop (erf);
	(erf) = vpow2.f32 v23  }
0x4b: {  	[tilespmem:s11+$0x110] =	vst v35;
	v63 =	vmax.f32 v17, $0.0e+00;
	v23 =	vmax.f32 v28, $0.0e+00;
	v17 =	vmin.f32 v18, $0.0e+00  }
0x4c: {  	[tilespmem:s11+$0x170] =	vst v60;
	v21 =	vpop (erf);
	(erf) = vpow2.f32 v20;
	v20 =	vmax.f32 v32, $0.0e+00;
	v17 =	vmul.f32 $1.442695020e+00, v17  }
0x4d: {  	[tilespmem:s11+$0x480] =	vst v22;
	v28 =	vadd.f32 v21, v54;
	v21 =	vmax.f32 v29, $0.0e+00;
	(erf) = vpow2.f32 v56;
	v22 =	vpop (erf)  }
0x4e: {  	[tilespmem:s11+$0x570] =	vst v30;
	v29 =	vadd.f32 v31, v50;
	(erf) = vpow2.f32 v55;
	v24 =	vadd.f32 v22, v27;
	v22 =	vpop (erf)  }
0x4f: {  	[tilespmem:s11+$0x4C0] =	vst v26;
	v27 =	vmin.f32 v16, $0.0e+00;
	(erf) = vpow2.f32 v44;
	v26 =	vadd.f32 v22, v23;
	v22 =	vpop (erf)  }
0x50: {  	s13 =	simm.s32 $0x100;
	s14 =	simm.s32 $0x200;
	s12 =	simm.s32 $0x0;
	[tilespmem:s11+$0x500] =	vst v28;
	v28 =	vadd.f32 v53, v34;
	(erf) = vpow2.f32 v62;
	v22 =	vadd.f32 v22, v63;
	v23 =	vpop (erf)  }
.LBB2_3:
0x51: {  	s15 =	sand.u32 $0xF800, s14;
	s16 =	sand.u32 $0x300, s13;
	s12 =	sadd.s32 $0x2, s12;
	v27 =	vmul.f32 $1.442695020e+00, v27;
	[tilespmem:s11+$0x160] =	vst v29;
	v29 =	vadd.f32 v14, v10;
	(erf) = vpow2.f32 v17;
	v14 =	vpop (erf)  }
0x52: {  	v6 =	vmax.f32 v6, $0.0e+00;
	v12 =	vmax.f32 v12, $0.0e+00;
	s15 =	sor.u32 s16, s15;
	p0 =	slt.u32 s12, $0xBE;
	v9 =	vadd.f32 v14, v9;
	[tilespmem:s11+$0x520] =	vst v28;
	v14 =	vpop (erf)  }
0x53: {  	v2 =	vmax.f32 v2, $0.0e+00;
	v17 =	vld [tilespmem:s15+$0x570];
	v6 =	vadd.f32 v14, v6;
	[tilespmem:s11+$0x540] =	vst v29;
	(erf) = vpow2.f32 v25;
	v10 =	vpop (erf)  }
0x54: {  	v14 =	vld [tilespmem:s15+$0x550];
	[tilespmem:s11+$0x120] =	vst v9;
	v9 =	vmax.f32 v1, $0.0e+00;
	v1 =	vadd.f32 v10, v2;
	(erf) = vpow2.f32 v15  }
0x55: {  	v7 =	vmax.f32 v7, $0.0e+00;
	v25 =	vmax.f32 v13, $0.0e+00;
	v2 =	vmul.f32 $1.442695020e+00, v8;
	v15 =	vld [tilespmem:s15+$0x510];
	[tilespmem:s11+$0xA0] =	vst v26;
	v10 =	vpop (erf)  }
0x56: {  	v5 =	vmax.f32 v5, $0.0e+00;
	v13 =	vld [tilespmem:s15+$0x560];
	[tilespmem:s11+$0x90] =	vst v6;
	v25 =	vadd.f32 v10, v25;
	(erf) = vpow2.f32 v19;
	v8 =	vpop (erf)  }
0x57: {  	v3 =	vmax.f32 v3, $0.0e+00;
	v19 =	vld [tilespmem:s15+$0x530];
	[tilespmem:s11+$0x4B0] =	vst v24;
	v5 =	vadd.f32 v8, v5;
	v8 =	vpop (erf);
	(erf) = vpow2.f32 v2  }
0x58: {  	v4 =	vmax.f32 v4, $0.0e+00;
	v2 =	vmax.f32 v11, $0.0e+00;
	v10 =	vld [tilespmem:s15+$0x540];
	v8 =	vadd.f32 v8, v21;
	[tilespmem:s11+$0x100] =	vst v25;
	v6 =	vpop (erf)  }
0x59: {  	v24 =	vmax.f32 v18, $0.0e+00;
	v21 =	vld [tilespmem:s15+$0x500];
	v2 =	vadd.f32 v6, v2;
	v6 =	vpop (erf);
	(erf) = vpow2.f32 v27  }
0x5a: {  	v18 =	vmin.f32 v17, $0.0e+00;
	v11 =	vld [tilespmem:s15+$0x170];
	v6 =	vadd.f32 v6, v12;
	v12 =	vadd.f32 v23, v20;
	[tilespmem:s11+$0x150] =	vst v1;
	v1 =	vpop (erf)  }
0x5b: {  	v26 =	vmul.f32 $1.442695020e+00, v18;
	v20 =	vmin.f32 v14, $0.0e+00;
	v23 =	vld [tilespmem:s15+$0x520];
	v27 =	vmin.f32 v13, $0.0e+00;
	[tilespmem:s11+$0x4F0] =	vst v5  }
0x5c: {  	v5 =	vmul.f32 $1.442695020e+00, v20;
	v24 =	vadd.f32 v1, v24;
	v18 =	vld [tilespmem:s15+$0x160];
	v20 =	vmul.f32 $1.442695020e+00, v27;
	[tilespmem:s11+$0x4D0] =	vst v2;
	v25 =	vpop (erf)  }
0x5d: {  	v27 =	vmin.f32 v19, $0.0e+00;
	v2 =	vld [tilespmem:s15+$0x150];
	(erf) = vpow2.f32 v26;
	[tilespmem:s11+$0xD0] =	vst v6;
	v6 =	vmax.f32 v16, $0.0e+00;
	v16 =	vpop (erf)  }
0x5e: {  	v26 =	vmin.f32 v10, $0.0e+00;
	v1 =	vld [tilespmem:s15+$0x140];
	(erf) = vpow2.f32 v20;
	[tilespmem:s11+$0x4A0] =	vst v22;
	v9 =	vadd.f32 v16, v9  }
0x5f: {  	v16 =	vmul.f32 $1.442695020e+00, v26;
	v28 =	vld [tilespmem:s15+$0x130];
	(erf) = vpow2.f32 v5;
	v5 =	vadd.f32 v25, v7;
	[tilespmem:s11+$0xE0] =	vst v8;
	v7 =	vpop (erf)  }
0x60: {  	v26 =	vmax.f32 v14, $0.0e+00;
	v20 =	vld [tilespmem:s15+$0x4A0];
	v8 =	vmin.f32 v23, $0.0e+00;
	v22 =	vadd.f32 v7, v4;
	[tilespmem:s11+$0x140] =	vst v9;
	v7 =	vpop (erf)  }
0x61: {  	v14 =	vmul.f32 $1.442695020e+00, v27;
	v9 =	vld [tilespmem:s15+$0x120];
	v8 =	vmul.f32 $1.442695020e+00, v8;
	[tilespmem:s11+$0x80] =	vst v5;
	v3 =	vadd.f32 v7, v3  }
0x62: {  	v7 =	vmin.f32 v18, $0.0e+00;
	v27 =	vld [tilespmem:s15+$0x110];
	v5 =	vmin.f32 v2, $0.0e+00;
	(erf) = vpow2.f32 v16;
	[tilespmem:s11+$0xB0] =	vst v22;
	v4 =	vpop (erf)  }
0x63: {  	v30 =	vmin.f32 v11, $0.0e+00;
	v29 =	vld [tilespmem:s15+$0x480];
	v22 =	vmul.f32 $1.442695020e+00, v5;
	[tilespmem:s11+$0xC0] =	vst v24;
	v4 =	vadd.f32 v4, v6  }
0x64: {  	v31 =	vmul.f32 $1.442695020e+00, v7;
	v7 =	vmin.f32 v21, $0.0e+00;
	v16 =	vld [tilespmem:s15+$0x4C0];
	v5 =	vmin.f32 v28, $0.0e+00;
	[tilespmem:s11+$0xF0] =	vst v3  }
0x65: {  	v3 =	vmin.f32 v15, $0.0e+00;
	v6 =	vld [tilespmem:s15+$0x90];
	v34 =	vmul.f32 $1.442695020e+00, v5;
	[tilespmem:s11+$0x4E0] =	vst v4  }
0x66: {  	v13 =	vmax.f32 v13, $0.0e+00;
	v24 =	vld [tilespmem:s15+$0xE0];
	v4 =	vmin.f32 v9, $0.0e+00;
	(erf) = vpow2.f32 v8;
	v25 =	vpop (erf);
	[tilespmem:s11+$0x490] =	vst v12;
	s11 =	smov.u32 s15  }
0x67: {  	v30 =	vmul.f32 $1.442695020e+00, v30;
	v12 =	vmul.f32 $1.442695020e+00, v3;
	v5 =	vld [tilespmem:s11+$0x4F0];
	v8 =	vmin.f32 v27, $0.0e+00;
	v33 =	vpop (erf)  }
0x68: {  	v23 =	vmax.f32 v23, $0.0e+00;
	v3 =	vld [tilespmem:s11+$0xF0];
	v13 =	vadd.f32 v33, v13;
	(erf) = vpow2.f32 v34;
	v32 =	vpop (erf)  }
0x69: {  	v35 =	vmul.f32 $1.442695020e+00, v4;
	v8 =	vmul.f32 $1.442695020e+00, v8;
	v33 =	vld [tilespmem:s11+$0x4B0];
	v34 =	vmin.f32 v16, $0.0e+00  }
0x6a: {  	v36 =	vmul.f32 $1.442695020e+00, v7;
	v9 =	vmax.f32 v9, $0.0e+00;
	v4 =	vld [tilespmem:s11+$0xB0];
	[tilespmem:s11+$0x560] =	vst v13;
	(erf) = vpow2.f32 v14  }
0x6b: {  	v10 =	vmax.f32 v10, $0.0e+00;
	v13 =	vmin.f32 v29, $0.0e+00;
	v7 =	vld [tilespmem:s11+$0x80];
	(erf) = vpow2.f32 v12;
	v14 =	vpop (erf)  }
0x6c: {  	v38 =	vmin.f32 v24, $0.0e+00;
	v13 =	vmul.f32 $1.442695020e+00, v13;
	v37 =	vld [tilespmem:s11+$0xA0];
	(erf) = vpow2.f32 v8  }
0x6d: {  	v28 =	vmax.f32 v28, $0.0e+00;
	v34 =	vmul.f32 $1.442695020e+00, v34;
	v8 =	vmin.f32 v3, $0.0e+00;
	v39 =	vld [tilespmem:s11+$0x490]  }
0x6e: {  	v40 =	vmin.f32 v6, $0.0e+00;
	v12 =	vmin.f32 v33, $0.0e+00  }
0x6f: {  	v43 =	vmin.f32 v1, $0.0e+00;
	v41 =	vmin.f32 v20, $0.0e+00;
	v42 =	vmul.f32 $1.442695020e+00, v12;
	v44 =	vpop (erf)  }
0x70: {  	v47 =	vmin.f32 v5, $0.0e+00;
	v46 =	vmin.f32 v4, $0.0e+00;
	v45 =	vmin.f32 v7, $0.0e+00;
	v12 =	vld [tilespmem:s11+$0xD0]  }
0x71: {  	v49 =	vmax.f32 v15, $0.0e+00;
	v48 =	vmin.f32 v37, $0.0e+00;
	v50 =	vpop (erf);
	(erf) = vpow2.f32 v30  }
0x72: {  	v27 =	vmax.f32 v27, $0.0e+00;
	v30 =	vmin.f32 v39, $0.0e+00;
	(erf) = vpow2.f32 v13  }
0x73: {  	v15 =	vmul.f32 $1.442695020e+00, v43;
	v43 =	vmax.f32 v11, $0.0e+00;
	v13 =	vld [tilespmem:s11+$0x100];
	(erf) = vpow2.f32 v34;
	v34 =	vpop (erf)  }
0x74: {  	v19 =	vmax.f32 v19, $0.0e+00;
	v41 =	vmul.f32 $1.442695020e+00, v41;
	v40 =	vmul.f32 $1.442695020e+00, v40;
	v11 =	vld [tilespmem:s11+$0x4D0];
	v51 =	vpop (erf)  }
0x75: {  	v53 =	vmax.f32 v18, $0.0e+00;
	v18 =	vadd.f32 v32, v26;
	v52 =	vmin.f32 v12, $0.0e+00;
	v26 =	vpop (erf)  }
0x76: {  	v21 =	vmax.f32 v21, $0.0e+00;
	v32 =	vmul.f32 $1.442695020e+00, v48;
	(erf) = vpow2.f32 v31  }
0x77: {  	v28 =	vadd.f32 v50, v28;
	v30 =	vmul.f32 $1.442695020e+00, v30;
	[tilespmem:s11+$0x550] =	vst v18;
	(erf) = vpow2.f32 v36  }
0x78: {  	v31 =	vmul.f32 $1.442695020e+00, v38;
	v36 =	vmul.f32 $1.442695020e+00, v47;
	v47 =	vadd.f32 v34, v19  }
0x79: {  	v19 =	vmul.f32 $1.442695020e+00, v46;
	v38 =	vmin.f32 v13, $0.0e+00;
	v34 =	vmin.f32 v11, $0.0e+00;
	[tilespmem:s11+$0x130] =	vst v28  }
0x7a: {  	v46 =	vadd.f32 v26, v27;
	v28 =	vmax.f32 v29, $0.0e+00;
	[tilespmem:s11+$0x530] =	vst v47;
	(erf) = vpow2.f32 v42;
	v18 =	vpop (erf)  }
0x7b: {  	v17 =	vmax.f32 v17, $0.0e+00;
	v27 =	vadd.f32 v18, v43;
	(erf) = vpow2.f32 v32;
	v29 =	vpop (erf)  }
0x7c: {  	v32 =	vmul.f32 $1.442695020e+00, v34;
	v18 =	vld [tilespmem:s11+$0xC0];
	v28 =	vadd.f32 v29, v28;
	[tilespmem:s11+$0x110] =	vst v46;
	(erf) = vpow2.f32 v41;
	v26 =	vpop (erf)  }
0x7d: {  	v16 =	vmax.f32 v16, $0.0e+00;
	v34 =	vadd.f32 v51, v49;
	(erf) = vpow2.f32 v30  }
0x7e: {  	v26 =	vadd.f32 v26, v16;
	v30 =	vmul.f32 $1.442695020e+00, v38;
	[tilespmem:s11+$0x170] =	vst v27;
	(erf) = vpow2.f32 v35  }
0x7f: {  	v17 =	vadd.f32 v25, v17;
	v27 =	vmax.f32 v33, $0.0e+00;
	v16 =	vld [tilespmem:s11+$0x4E0];
	[tilespmem:s11+$0x510] =	vst v34;
	(erf) = vpow2.f32 v40;
	v29 =	vpop (erf)  }
0x80: {  	v33 =	vmul.f32 $1.442695020e+00, v52;
	[tilespmem:s11+$0x480] =	vst v28;
	v28 =	vmax.f32 v20, $0.0e+00;
	(erf) = vpow2.f32 v22;
	v20 =	vpop (erf)  }
0x81: {  	v25 =	vmul.f32 $1.442695020e+00, v45;
	v22 =	vmax.f32 v37, $0.0e+00;
	v34 =	vmin.f32 v18, $0.0e+00;
	[tilespmem:s11+$0x570] =	vst v17  }
.Ltmp1:
0x82: {  	v17 =	vmul.f32 $1.442695020e+00, v34;
	v34 =	vadd.f32 v20, v21;
	(erf) = vpow2.f32 v30;
	(pc) =	sbr.rel @p0 .LBB2_3-.Ltmp1, $4  }
0x83: {  	v21 =	vmax.f32 v24, $0.0e+00;
	v20 =	vmax.f32 v39, $0.0e+00;
	[tilespmem:s11+$0x4C0] =	vst v26;
	v24 =	vpop (erf);
	(erf) = vpow2.f32 v36  }
0x84: {  	v24 =	vadd.f32 v24, v27;
	v27 =	vmin.f32 v16, $0.0e+00;
	[tilespmem:s11+$0x500] =	vst v34;
	v26 =	vpop (erf);
	(erf) = vpow2.f32 v31  }
0x85: {  	v29 =	vadd.f32 v29, v53;
	v26 =	vadd.f32 v26, v22;
	v22 =	vpop (erf);
	(erf) = vpow2.f32 v32  }
0x86: {  	s13 =	sadd.s32 $0x100, s13;
	s14 =	sadd.s32 $0x200, s14;
	v22 =	vadd.f32 v22, v28;
	v28 =	vadd.f32 v44, v23;
	(erf) = vpow2.f32 v33;
	v23 =	vpop (erf)  }
0x87: {  	_ = 	snop  }
0x88: {  	v43 =	vpop (erf)  }
0x89: {  	[tilespmem:s11+$0x160] =	vst v29;
	(erf) = vpow2.f32 v17;
	v44 =	vpop (erf)  }
0x8a: {  	[tilespmem:s11+$0xA0] =	vst v26;
	(erf) = vpow2.f32 v25;
	v45 =	vpop (erf)  }
0x8b: {  	[tilespmem:s11+$0x4B0] =	vst v24;
	(erf) = vpow2.f32 v15;
	v47 =	vpop (erf)  }
0x8c: {  	v10 =	vadd.f32 v14, v10;
	v6 =	vmax.f32 v6, $0.0e+00;
	[tilespmem:s11+$0x520] =	vst v28;
	(erf) = vpow2.f32 v19;
	v50 =	vpop (erf)  }
0x8d: {  	v8 =	vmul.f32 $1.442695020e+00, v8;
	v2 =	vmax.f32 v2, $0.0e+00;
	v9 =	vadd.f32 v43, v9;
	[tilespmem:s11+$0x4A0] =	vst v22;
	v51 =	vpop (erf)  }
0x8e: {  	v46 =	vmax.f32 v13, $0.0e+00;
	v48 =	vmul.f32 $1.442695020e+00, v27;
	[tilespmem:s11+$0x540] =	vst v10;
	v2 =	vadd.f32 v45, v2;
	v53 =	vpop (erf)  }
0x8f: {  	v54 =	vmax.f32 v12, $0.0e+00;
	v6 =	vadd.f32 v44, v6;
	[tilespmem:s11+$0x120] =	vst v9;
	(erf) = vpow2.f32 v8;
	v55 =	vpop (erf)  }
0x90: {  	v5 =	vmax.f32 v5, $0.0e+00;
	v49 =	vadd.f32 v47, v46;
	[tilespmem:s11+$0x150] =	vst v2;
	v2 =	vadd.f32 v55, v54  }
0x91: {  	[tilespmem:s11+$0x90] =	vst v6;
	v5 =	vadd.f32 v50, v5;
	(erf) = vpow2.f32 v48  }
0x92: {  	[tilespmem:s11+$0x100] =	vst v49;
	v56 =	vpop (erf)  }
0x93: {  	v52 =	vmax.f32 v11, $0.0e+00;
	v58 =	vadd.f32 v51, v21;
	[tilespmem:s11+$0x4F0] =	vst v5;
	v57 =	vpop (erf)  }
0x94: {  	v1 =	vmax.f32 v1, $0.0e+00;
	v7 =	vmax.f32 v7, $0.0e+00;
	v6 =	vadd.f32 v53, v52;
	[tilespmem:s11+$0xD0] =	vst v2;
	v2 =	vpop (erf)  }
0x95: {  	[tilespmem:s11+$0xE0] =	vst v58;
	v59 =	vadd.f32 v57, v7;
	v1 =	vadd.f32 v2, v1;
	v2 =	vmax.f32 v4, $0.0e+00;
	v60 =	vpop (erf)  }
0x96: {  	[tilespmem:s11+$0x4D0] =	vst v6;
	v2 =	vadd.f32 v60, v2  }
0x97: {  	v61 =	vmax.f32 v18, $0.0e+00;
	[tilespmem:s11+$0x80] =	vst v59  }
0x98: {  	v62 =	vpop (erf);
	[tilespmem:s11+$0x140] =	vst v1;
	v1 =	vmax.f32 v3, $0.0e+00;
	v3 =	vadd.f32 v56, v61  }
0x99: {  	v1 =	vadd.f32 v62, v1;
	[tilespmem:s11+$0xB0] =	vst v2  }
0x9a: {  	v63 =	vmax.f32 v16, $0.0e+00;
	[tilespmem:s11+$0xC0] =	vst v3;
	v3 =	vadd.f32 v23, v20;
	v2 =	vpop (erf)  }
0x9b: {  	s10 =	sadd.s32 $0x1, s10;
	[tilespmem:s11+$0xF0] =	vst v1;
	v2 =	vadd.f32 v2, v63  }
0x9c: {  	p0 =	sne.s32 s10, s6;
	[tilespmem:s11+$0x490] =	vst v3  }
.Ltmp2:
0x9d: {  	[tilespmem:s11+$0x4E0] =	vst v2;
	(pc) =	sbr.rel @p0 .LBB2_2-.Ltmp2, $4  }
0x9e: {  	[hbm4b:s4+s3] =	stream.linear.scatter [tilespmem:s8], [sflag:$0x2], $0xC000, $0x38;
	[tilespmem:$0xC080] =	vst v63  }
0x9f: {  	_ =	swait.ge [sflag:s7], $0xC000  }
0xa0: {  	[sflag:s7] =	ssyncset.done $0x0  }
0xa1: {  	[sflag:s7] =	ssyncadd.s32 $0xFFFF4000  }
.LBB2_5:
0xa2: {  	_ =	sfence.sel $0x180000  }
0xa3: {  	[bflag:$0x0] =	sbarrier.arrive $0xFFFF  }
0xa4: {  	p0 =	sne.s32 s1, $0x0;
	_ =	strace $0x90000047  }
0xa5: {  	s0 =	sadd.s32 @!p0 $0x100000, s0;
	[bflag:$0x2] =	sbarrier.arrive $0xFFFF  }
0xa6: {  	[sflag:s0] =	ssyncadd.tile.s32 @!p0 $0x1;
	_ =	shalt  }
.Lfunc_end2:
_tile_overlayer_lowered:
.L_overlay_start_2:
0xa7: {  	(tag) =	ssettag $0x2  }
0xa8: {  	s0 =	rddreg [dreg:$0x0];
	s2 =	stileid.u32  }
0xa9: {  	s1 =	rddreg [dreg:$0x1];
	p0 =	sne.s32 s2, $0x0  }
0xaa: {  	s3 =	rddreg [dreg:$0x2];
	[bflag:$0x3] =	sbarrier.arrive $0xFFFF;
	s2 =	simm.s32 @!p0 $0x1C02  }
0xab: {  	[timem:s3], [sflag:s2] =	dma.local @!p0 [hbm:s0], s1  }
0xac: {  	s0 =	simm.s32 @!p0 $0x2  }
0xad: {  	_ =	swait.ge @!p0 [sflag:s0], s1  }
0xae: {  	s1 =	ssub.s32 @!p0 $0x0, s1;
	[sflag:s0] =	ssyncset.done @!p0 $0x0  }
0xaf: {  	[sflag:s0] =	ssyncadd.s32 @!p0 s1  }
0xb0: {  	[bflag:$0x3] =	sbarrier.arrive $0xFFFF  }
0xb1: {  	_ =	shalt  }

</sc_bundles>
